<compile_context>
chip_gen: v7x
topology: tpu7x:2x2x1
jax: 0.10.2.dev20260603
libtpu: 0.0.44.dev20260713+nightly
codegen_flags: <defaults>
</compile_context>

<pallas_src>
import functools

import jax
import jax.numpy as jnp
from jax import lax
from jax.experimental import pallas as pl
from jax.experimental.pallas import tpu as pltpu
from jax.experimental.pallas import tpu_sc as plsc

N = 4096
L = 16
NW = 32
CH = N // NW
NT = N // L
BX = 8
BIG = 3.4e38

_sc_mesh = plsc.VectorSubcoreMesh(core_axis_name="c", subcore_axis_name="s")


@functools.partial(
    pl.kernel,
    out_type=[
        jax.ShapeDtypeStruct((N, L), jnp.float32),
        jax.ShapeDtypeStruct((NW, N), jnp.float32),
    ],
    mesh=_sc_mesh,
    scratch_types=[
        pltpu.VMEM((CH, L), jnp.float32),
        pltpu.VMEM((CH, L), jnp.float32),
        pltpu.VMEM((CH, L), jnp.float32),
        pltpu.VMEM((N,), jnp.float32),
        pltpu.VMEM((N,), jnp.float32),
        pltpu.VMEM((N,), jnp.float32),
        pltpu.VMEM((N,), jnp.float32),
        pltpu.VMEM((CH, L), jnp.float32),
        pltpu.VMEM((N,), jnp.float32),
    ],
)
def _sc_stage1(xb0, xb1, xb2, ym0, ym1, ym2, yn, rowv_hbm, colp_hbm,
               xb0v, xb1v, xb2v, ym0v, ym1v, ym2v, ynv, rowbuf, colv):
    wid = lax.axis_index("s") * 2 + lax.axis_index("c")
    base = wid * CH

    pltpu.sync_copy(xb0.at[pl.ds(base, CH), :], xb0v)
    pltpu.sync_copy(xb1.at[pl.ds(base, CH), :], xb1v)
    pltpu.sync_copy(xb2.at[pl.ds(base, CH), :], xb2v)
    pltpu.sync_copy(ym0, ym0v)
    pltpu.sync_copy(ym1, ym1v)
    pltpu.sync_copy(ym2, ym2v)
    pltpu.sync_copy(yn, ynv)

    def _init(t, carry):
        colv[pl.ds(t * L, L)] = jnp.full((L,), BIG, jnp.float32)
        return carry

    lax.fori_loop(0, NT, _init, 0)

    def _chunk(c, carry):
        xi0 = c * BX
        a0 = [xb0v[xi0 + k, :] for k in range(BX)]
        a1 = [xb1v[xi0 + k, :] for k in range(BX)]
        a2 = [xb2v[xi0 + k, :] for k in range(BX)]
        an = [a0[k] * a0[k] + a1[k] * a1[k] + a2[k] * a2[k]
              for k in range(BX)]

        def _ytile(t, rmins):
            s = t * L
            b0 = ym0v[pl.ds(s, L)]
            b1 = ym1v[pl.ds(s, L)]
            b2 = ym2v[pl.ds(s, L)]
            bn = ynv[pl.ds(s, L)]
            tts = []
            for k in range(BX):
                tt = a0[k] * b0 + bn
                tt = tt + a1[k] * b1
                tt = tt + a2[k] * b2
                tts.append(tt)
            cc = tts[0] + an[0]
            for k in range(1, BX):
                cc = jnp.minimum(cc, tts[k] + an[k])
            colv[pl.ds(s, L)] = jnp.minimum(colv[pl.ds(s, L)], cc)
            return tuple(jnp.minimum(r, t_) for r, t_ in zip(rmins, tts))

        init = tuple(jnp.full((L,), BIG, jnp.float32) for _ in range(BX))
        rmins = lax.fori_loop(0, NT, _ytile, init)
        for k in range(BX):
            rowbuf[xi0 + k, :] = rmins[k] + an[k]
        return carry

    lax.fori_loop(0, CH // BX, _chunk, 0)

    pltpu.sync_copy(rowbuf, rowv_hbm.at[pl.ds(base, CH), :])
    pltpu.sync_copy(colv, colp_hbm.at[wid])


def _tc_finish(rowv_ref, colp_ref, out_ref):
    rmin = jnp.min(rowv_ref[...], axis=1)
    cmin = jnp.min(colp_ref[...], axis=0)
    rmin = jnp.maximum(rmin, 0.0)
    cmin = jnp.maximum(cmin, 0.0)
    loss = (jnp.sum(jnp.sqrt(rmin)) + jnp.sum(jnp.sqrt(cmin))) * (1.0 / N)
    out_ref[...] = jnp.full((1, 1), loss, dtype=jnp.float32)


def kernel(X, Y):
    Xf = X[0]
    Yf = Y[0]
    xbs = [jnp.broadcast_to(Xf[:, k:k + 1], (N, L)) for k in range(3)]
    yms = [-2.0 * Yf[:, k] for k in range(3)]
    yn = Yf[:, 0] ** 2 + Yf[:, 1] ** 2 + Yf[:, 2] ** 2

    rowv, colp = _sc_stage1(*xbs, *yms, yn)

    out = pl.pallas_call(
        _tc_finish,
        out_shape=jax.ShapeDtypeStruct((1, 1), jnp.float32),
    )(rowv, colp)
    return out[0, 0]

# --- scband reference (transcript-rebuilt; emitter-appended) ---
"""Pipeline reference for scband-loss-31903017074985 (READ-ONLY COPY).

The authoritative reference and input builder live on the scoring server;
editing this copy changes nothing except your own understanding.
"""

import jax, jax.numpy as jnp
import numpy as np


def setup_inputs(seed: int = 0) -> dict:
    key = jax.random.key(seed)
    kx, ky = jax.random.split(key)
    X = jax.random.normal(kx, (1, 4096, 3), dtype=jnp.float32)
    Y = jax.random.normal(ky, (1, 4096, 3), dtype=jnp.float32)
    return {"X": X, "Y": Y}


def _comp_closest_pts_idx(pts_src, pts_des):
    # pts_src: (3, S), pts_des: (3, D)
    # torch code splits src into chunks of 500000; S=4096 -> single chunk.
    diff = pts_src[:, :, None] - pts_des[:, None, :]  # (3, S, D)
    dist = jnp.linalg.norm(diff, axis=0)              # (S, D)
    closest_idx = jnp.argmin(dist, axis=1)            # (S,)
    return closest_idx


def _comp_point_point_error(Xt, Yt):
    # Xt: (3, S), Yt: (3, D)
    closest_idx = _comp_closest_pts_idx(Xt, Yt)
    pt_pt_vec = Xt - Yt[:, closest_idx]               # gather on SparseCore-style index
    pt_pt_dist = jnp.linalg.norm(pt_pt_vec, axis=0)
    return jnp.mean(pt_pt_dist)


def reference(X, Y):
    # get_pc_loss: bidirectional chamfer-style point-to-nearest-point loss
    Xt = jnp.transpose(X[0], (1, 0))  # (3, S)
    Yt = jnp.transpose(Y[0], (1, 0))  # (3, D)
    loss1 = _comp_point_point_error(Xt, Yt)
    loss2 = _comp_point_point_error(Yt, Xt)
    return loss1 + loss2

if __name__ == "__main__":
    import jax
    _d = setup_inputs()
    print(jax.jit(kernel)(*tuple(_d.values())))

</pallas_src>

<mosaic_0001>
#map = affine_map<(d0, d1) -> (0, 0)>
#map1 = affine_map<(d0, d1) -> (0)>
module attributes {stable_mosaic.version = 14 : i64} {
  func.func @_sc_stage1(%arg0: i32, %arg1: i32, %arg2: memref<4096x16xf32, #tpu.memory_space<hbm>>, %arg3: memref<4096x16xf32, #tpu.memory_space<hbm>>, %arg4: memref<4096x16xf32, #tpu.memory_space<hbm>>, %arg5: memref<4096xf32, #tpu.memory_space<hbm>>, %arg6: memref<4096xf32, #tpu.memory_space<hbm>>, %arg7: memref<4096xf32, #tpu.memory_space<hbm>>, %arg8: memref<4096xf32, #tpu.memory_space<hbm>>, %arg9: memref<4096x16xf32, #tpu.memory_space<hbm>>, %arg10: memref<32x4096xf32, #tpu.memory_space<hbm>>, %arg11: memref<128x16xf32, #tpu.memory_space<vmem>>, %arg12: memref<128x16xf32, #tpu.memory_space<vmem>>, %arg13: memref<128x16xf32, #tpu.memory_space<vmem>>, %arg14: memref<4096xf32, #tpu.memory_space<vmem>>, %arg15: memref<4096xf32, #tpu.memory_space<vmem>>, %arg16: memref<4096xf32, #tpu.memory_space<vmem>>, %arg17: memref<4096xf32, #tpu.memory_space<vmem>>, %arg18: memref<128x16xf32, #tpu.memory_space<vmem>>, %arg19: memref<4096xf32, #tpu.memory_space<vmem>>) attributes {dimension_semantics = [#tpu.dimension_semantics<core_parallel>, #tpu.dimension_semantics<subcore_parallel>], iteration_bounds = array<i64: 2, 16>, scalar_prefetch = 0 : i64, scratch_operands = 9 : i64, tpu.core_type = #tpu.core_type<sc_vector_subcore>, window_params = [{transform_indices = #map}, {transform_indices = #map}, {transform_indices = #map}, {transform_indices = #map1}, {transform_indices = #map1}, {transform_indices = #map1}, {transform_indices = #map1}, {transform_indices = #map}, {transform_indices = #map}]} {
    %mul3A = arith.constant 2 : i32
    %mul3A_0 = arith.muli %arg1, %mul3A : i32
    %add3A = arith.addi %mul3A_0, %arg0 : i32
    %mul3A_1 = arith.constant 128 : i32
    %mul3A_2 = arith.muli %add3A, %mul3A_1 : i32
    "tpu.region"() ({
      %run_scoped3A = tpu.sem_alloc : memref<!tpu.dma_semaphore, #tpu.memory_space<semaphore_mem>>
      %dma_start3A = arith.constant 0 : i32
      %dma_start3A_14 = tpu.memref_slice %arg2[%mul3A_2, %dma_start3A] : memref<4096x16xf32, #tpu.memory_space<hbm>> -> memref<128x16xf32, #tpu.memory_space<hbm>>
      %dma_start3A_15 = arith.constant 0 : i32
      %dma_start3A_16 = tpu.memref_slice %arg2[%mul3A_2, %dma_start3A_15] : memref<4096x16xf32, #tpu.memory_space<hbm>> -> memref<128x16xf32, #tpu.memory_space<hbm>>
      tpu.enqueue_dma source(%dma_start3A_16 : memref<128x16xf32, #tpu.memory_space<hbm>>) target(%arg11 : memref<128x16xf32, #tpu.memory_space<vmem>>) target_semaphore(%run_scoped3A : memref<!tpu.dma_semaphore, #tpu.memory_space<semaphore_mem>>)
      %dma_wait3A = arith.constant 0 : i32
      %dma_wait3A_17 = tpu.memref_slice %arg2[%mul3A_2, %dma_wait3A] : memref<4096x16xf32, #tpu.memory_space<hbm>> -> memref<128x16xf32, #tpu.memory_space<hbm>>
      %dma_wait3A_18 = arith.constant 0 : i32
      %dma_wait3A_19 = tpu.memref_slice %arg2[%mul3A_2, %dma_wait3A_18] : memref<4096x16xf32, #tpu.memory_space<hbm>> -> memref<128x16xf32, #tpu.memory_space<hbm>>
      tpu.wait_dma2 semaphore(%run_scoped3A : memref<!tpu.dma_semaphore, #tpu.memory_space<semaphore_mem>>) src(%dma_wait3A_19 : memref<128x16xf32, #tpu.memory_space<hbm>>) dst(%arg11 : memref<128x16xf32, #tpu.memory_space<vmem>>)
      tpu.yield
    }) : () -> ()
    "tpu.region"() ({
      %run_scoped3A = tpu.sem_alloc : memref<!tpu.dma_semaphore, #tpu.memory_space<semaphore_mem>>
      %dma_start3A = arith.constant 0 : i32
      %dma_start3A_14 = tpu.memref_slice %arg3[%mul3A_2, %dma_start3A] : memref<4096x16xf32, #tpu.memory_space<hbm>> -> memref<128x16xf32, #tpu.memory_space<hbm>>
      %dma_start3A_15 = arith.constant 0 : i32
      %dma_start3A_16 = tpu.memref_slice %arg3[%mul3A_2, %dma_start3A_15] : memref<4096x16xf32, #tpu.memory_space<hbm>> -> memref<128x16xf32, #tpu.memory_space<hbm>>
      tpu.enqueue_dma source(%dma_start3A_16 : memref<128x16xf32, #tpu.memory_space<hbm>>) target(%arg12 : memref<128x16xf32, #tpu.memory_space<vmem>>) target_semaphore(%run_scoped3A : memref<!tpu.dma_semaphore, #tpu.memory_space<semaphore_mem>>)
      %dma_wait3A = arith.constant 0 : i32
      %dma_wait3A_17 = tpu.memref_slice %arg3[%mul3A_2, %dma_wait3A] : memref<4096x16xf32, #tpu.memory_space<hbm>> -> memref<128x16xf32, #tpu.memory_space<hbm>>
      %dma_wait3A_18 = arith.constant 0 : i32
      %dma_wait3A_19 = tpu.memref_slice %arg3[%mul3A_2, %dma_wait3A_18] : memref<4096x16xf32, #tpu.memory_space<hbm>> -> memref<128x16xf32, #tpu.memory_space<hbm>>
      tpu.wait_dma2 semaphore(%run_scoped3A : memref<!tpu.dma_semaphore, #tpu.memory_space<semaphore_mem>>) src(%dma_wait3A_19 : memref<128x16xf32, #tpu.memory_space<hbm>>) dst(%arg12 : memref<128x16xf32, #tpu.memory_space<vmem>>)
      tpu.yield
    }) : () -> ()
    "tpu.region"() ({
      %run_scoped3A = tpu.sem_alloc : memref<!tpu.dma_semaphore, #tpu.memory_space<semaphore_mem>>
      %dma_start3A = arith.constant 0 : i32
      %dma_start3A_14 = tpu.memref_slice %arg4[%mul3A_2, %dma_start3A] : memref<4096x16xf32, #tpu.memory_space<hbm>> -> memref<128x16xf32, #tpu.memory_space<hbm>>
      %dma_start3A_15 = arith.constant 0 : i32
      %dma_start3A_16 = tpu.memref_slice %arg4[%mul3A_2, %dma_start3A_15] : memref<4096x16xf32, #tpu.memory_space<hbm>> -> memref<128x16xf32, #tpu.memory_space<hbm>>
      tpu.enqueue_dma source(%dma_start3A_16 : memref<128x16xf32, #tpu.memory_space<hbm>>) target(%arg13 : memref<128x16xf32, #tpu.memory_space<vmem>>) target_semaphore(%run_scoped3A : memref<!tpu.dma_semaphore, #tpu.memory_space<semaphore_mem>>)
      %dma_wait3A = arith.constant 0 : i32
      %dma_wait3A_17 = tpu.memref_slice %arg4[%mul3A_2, %dma_wait3A] : memref<4096x16xf32, #tpu.memory_space<hbm>> -> memref<128x16xf32, #tpu.memory_space<hbm>>
      %dma_wait3A_18 = arith.constant 0 : i32
      %dma_wait3A_19 = tpu.memref_slice %arg4[%mul3A_2, %dma_wait3A_18] : memref<4096x16xf32, #tpu.memory_space<hbm>> -> memref<128x16xf32, #tpu.memory_space<hbm>>
      tpu.wait_dma2 semaphore(%run_scoped3A : memref<!tpu.dma_semaphore, #tpu.memory_space<semaphore_mem>>) src(%dma_wait3A_19 : memref<128x16xf32, #tpu.memory_space<hbm>>) dst(%arg13 : memref<128x16xf32, #tpu.memory_space<vmem>>)
      tpu.yield
    }) : () -> ()
    "tpu.region"() ({
      %run_scoped3A = tpu.sem_alloc : memref<!tpu.dma_semaphore, #tpu.memory_space<semaphore_mem>>
      tpu.enqueue_dma source(%arg5 : memref<4096xf32, #tpu.memory_space<hbm>>) target(%arg14 : memref<4096xf32, #tpu.memory_space<vmem>>) target_semaphore(%run_scoped3A : memref<!tpu.dma_semaphore, #tpu.memory_space<semaphore_mem>>)
      tpu.wait_dma2 semaphore(%run_scoped3A : memref<!tpu.dma_semaphore, #tpu.memory_space<semaphore_mem>>) src(%arg5 : memref<4096xf32, #tpu.memory_space<hbm>>) dst(%arg14 : memref<4096xf32, #tpu.memory_space<vmem>>)
      tpu.yield
    }) : () -> ()
    "tpu.region"() ({
      %run_scoped3A = tpu.sem_alloc : memref<!tpu.dma_semaphore, #tpu.memory_space<semaphore_mem>>
      tpu.enqueue_dma source(%arg6 : memref<4096xf32, #tpu.memory_space<hbm>>) target(%arg15 : memref<4096xf32, #tpu.memory_space<vmem>>) target_semaphore(%run_scoped3A : memref<!tpu.dma_semaphore, #tpu.memory_space<semaphore_mem>>)
      tpu.wait_dma2 semaphore(%run_scoped3A : memref<!tpu.dma_semaphore, #tpu.memory_space<semaphore_mem>>) src(%arg6 : memref<4096xf32, #tpu.memory_space<hbm>>) dst(%arg15 : memref<4096xf32, #tpu.memory_space<vmem>>)
      tpu.yield
    }) : () -> ()
    "tpu.region"() ({
      %run_scoped3A = tpu.sem_alloc : memref<!tpu.dma_semaphore, #tpu.memory_space<semaphore_mem>>
      tpu.enqueue_dma source(%arg7 : memref<4096xf32, #tpu.memory_space<hbm>>) target(%arg16 : memref<4096xf32, #tpu.memory_space<vmem>>) target_semaphore(%run_scoped3A : memref<!tpu.dma_semaphore, #tpu.memory_space<semaphore_mem>>)
      tpu.wait_dma2 semaphore(%run_scoped3A : memref<!tpu.dma_semaphore, #tpu.memory_space<semaphore_mem>>) src(%arg7 : memref<4096xf32, #tpu.memory_space<hbm>>) dst(%arg16 : memref<4096xf32, #tpu.memory_space<vmem>>)
      tpu.yield
    }) : () -> ()
    "tpu.region"() ({
      %run_scoped3A = tpu.sem_alloc : memref<!tpu.dma_semaphore, #tpu.memory_space<semaphore_mem>>
      tpu.enqueue_dma source(%arg8 : memref<4096xf32, #tpu.memory_space<hbm>>) target(%arg17 : memref<4096xf32, #tpu.memory_space<vmem>>) target_semaphore(%run_scoped3A : memref<!tpu.dma_semaphore, #tpu.memory_space<semaphore_mem>>)
      tpu.wait_dma2 semaphore(%run_scoped3A : memref<!tpu.dma_semaphore, #tpu.memory_space<semaphore_mem>>) src(%arg8 : memref<4096xf32, #tpu.memory_space<hbm>>) dst(%arg17 : memref<4096xf32, #tpu.memory_space<vmem>>)
      tpu.yield
    }) : () -> ()
    %scan3A = arith.constant 0 : i32
    %scan3A_3 = arith.constant 0 : i32
    %scan3A_4 = arith.constant 256 : i32
    %scan3A_5 = arith.addi %scan3A_3, %scan3A_4 : i32
    %scan3A_6 = arith.constant 1 : i32
    scf.for %scan3A_14 = %scan3A_3 to %scan3A_5 step %scan3A_6  : i32 {
      %broadcast_in_dim3A = arith.constant 3.400000e+38 : f32
      %broadcast_in_dim3A_15 = vector.broadcast %broadcast_in_dim3A : f32 to vector<16xf32>
      %mul3A_16 = arith.constant 16 : i32
      %mul3A_17 = arith.muli %scan3A_14, %mul3A_16 : i32
      %swap3A = arith.index_cast %mul3A_17 : i32 to index
      %swap3A_18 = tpu.vector_load %arg19[%swap3A] {strides = array<i32>} : memref<4096xf32, #tpu.memory_space<vmem>>, vector<16xf32>,
      %swap3A_19 = vector.shape_cast %swap3A_18 : vector<16xf32> to vector<16xf32>
      %swap3A_20 = vector.shape_cast %broadcast_in_dim3A_15 : vector<16xf32> to vector<16xf32>
      tpu.vector_store %arg19[%swap3A], %swap3A_20 {strides = array<i32>} : memref<4096xf32, #tpu.memory_space<vmem>>, vector<16xf32>,
    }
    %scan3A_7 = arith.constant 256 : i32
    %scan3A_8 = arith.constant 0 : i32
    %scan3A_9 = arith.constant 0 : i32
    %scan3A_10 = arith.constant 16 : i32
    %scan3A_11 = arith.addi %scan3A_9, %scan3A_10 : i32
    %scan3A_12 = arith.constant 1 : i32
    scf.for %scan3A_14 = %scan3A_9 to %scan3A_11 step %scan3A_12  : i32 {
      %mul3A_15 = arith.constant 8 : i32
      %mul3A_16 = arith.muli %scan3A_14, %mul3A_15 : i32
      %add3A_17 = arith.constant 0 : i32
      %add3A_18 = arith.addi %mul3A_16, %add3A_17 : i32
      %get3A = arith.index_cast %add3A_18 : i32 to index
      %get3A_19 = arith.constant 0 : index
      %get3A_20 = tpu.vector_load %arg11[%get3A, %get3A_19] {strides = array<i32>} : memref<128x16xf32, #tpu.memory_space<vmem>>, vector<1x16xf32>,
      %get3A_21 = vector.shape_cast %get3A_20 : vector<1x16xf32> to vector<16xf32>
      %add3A_22 = arith.constant 1 : i32
      %add3A_23 = arith.addi %mul3A_16, %add3A_22 : i32
      %get3A_24 = arith.index_cast %add3A_23 : i32 to index
      %get3A_25 = arith.constant 0 : index
      %get3A_26 = tpu.vector_load %arg11[%get3A_24, %get3A_25] {strides = array<i32>} : memref<128x16xf32, #tpu.memory_space<vmem>>, vector<1x16xf32>,
      %get3A_27 = vector.shape_cast %get3A_26 : vector<1x16xf32> to vector<16xf32>
      %add3A_28 = arith.constant 2 : i32
      %add3A_29 = arith.addi %mul3A_16, %add3A_28 : i32
      %get3A_30 = arith.index_cast %add3A_29 : i32 to index
      %get3A_31 = arith.constant 0 : index
      %get3A_32 = tpu.vector_load %arg11[%get3A_30, %get3A_31] {strides = array<i32>} : memref<128x16xf32, #tpu.memory_space<vmem>>, vector<1x16xf32>,
      %get3A_33 = vector.shape_cast %get3A_32 : vector<1x16xf32> to vector<16xf32>
      %add3A_34 = arith.constant 3 : i32
      %add3A_35 = arith.addi %mul3A_16, %add3A_34 : i32
      %get3A_36 = arith.index_cast %add3A_35 : i32 to index
      %get3A_37 = arith.constant 0 : index
      %get3A_38 = tpu.vector_load %arg11[%get3A_36, %get3A_37] {strides = array<i32>} : memref<128x16xf32, #tpu.memory_space<vmem>>, vector<1x16xf32>,
      %get3A_39 = vector.shape_cast %get3A_38 : vector<1x16xf32> to vector<16xf32>
      %add3A_40 = arith.constant 4 : i32
      %add3A_41 = arith.addi %mul3A_16, %add3A_40 : i32
      %get3A_42 = arith.index_cast %add3A_41 : i32 to index
      %get3A_43 = arith.constant 0 : index
      %get3A_44 = tpu.vector_load %arg11[%get3A_42, %get3A_43] {strides = array<i32>} : memref<128x16xf32, #tpu.memory_space<vmem>>, vector<1x16xf32>,
      %get3A_45 = vector.shape_cast %get3A_44 : vector<1x16xf32> to vector<16xf32>
      %add3A_46 = arith.constant 5 : i32
      %add3A_47 = arith.addi %mul3A_16, %add3A_46 : i32
      %get3A_48 = arith.index_cast %add3A_47 : i32 to index
      %get3A_49 = arith.constant 0 : index
      %get3A_50 = tpu.vector_load %arg11[%get3A_48, %get3A_49] {strides = array<i32>} : memref<128x16xf32, #tpu.memory_space<vmem>>, vector<1x16xf32>,
      %get3A_51 = vector.shape_cast %get3A_50 : vector<1x16xf32> to vector<16xf32>
      %add3A_52 = arith.constant 6 : i32
      %add3A_53 = arith.addi %mul3A_16, %add3A_52 : i32
      %get3A_54 = arith.index_cast %add3A_53 : i32 to index
      %get3A_55 = arith.constant 0 : index
      %get3A_56 = tpu.vector_load %arg11[%get3A_54, %get3A_55] {strides = array<i32>} : memref<128x16xf32, #tpu.memory_space<vmem>>, vector<1x16xf32>,
      %get3A_57 = vector.shape_cast %get3A_56 : vector<1x16xf32> to vector<16xf32>
      %add3A_58 = arith.constant 7 : i32
      %add3A_59 = arith.addi %mul3A_16, %add3A_58 : i32
      %get3A_60 = arith.index_cast %add3A_59 : i32 to index
      %get3A_61 = arith.constant 0 : index
      %get3A_62 = tpu.vector_load %arg11[%get3A_60, %get3A_61] {strides = array<i32>} : memref<128x16xf32, #tpu.memory_space<vmem>>, vector<1x16xf32>,
      %get3A_63 = vector.shape_cast %get3A_62 : vector<1x16xf32> to vector<16xf32>
      %add3A_64 = arith.constant 0 : i32
      %add3A_65 = arith.addi %mul3A_16, %add3A_64 : i32
      %get3A_66 = arith.index_cast %add3A_65 : i32 to index
      %get3A_67 = arith.constant 0 : index
      %get3A_68 = tpu.vector_load %arg12[%get3A_66, %get3A_67] {strides = array<i32>} : memref<128x16xf32, #tpu.memory_space<vmem>>, vector<1x16xf32>,
      %get3A_69 = vector.shape_cast %get3A_68 : vector<1x16xf32> to vector<16xf32>
      %add3A_70 = arith.constant 1 : i32
      %add3A_71 = arith.addi %mul3A_16, %add3A_70 : i32
      %get3A_72 = arith.index_cast %add3A_71 : i32 to index
      %get3A_73 = arith.constant 0 : index
      %get3A_74 = tpu.vector_load %arg12[%get3A_72, %get3A_73] {strides = array<i32>} : memref<128x16xf32, #tpu.memory_space<vmem>>, vector<1x16xf32>,
      %get3A_75 = vector.shape_cast %get3A_74 : vector<1x16xf32> to vector<16xf32>
      %add3A_76 = arith.constant 2 : i32
      %add3A_77 = arith.addi %mul3A_16, %add3A_76 : i32
      %get3A_78 = arith.index_cast %add3A_77 : i32 to index
      %get3A_79 = arith.constant 0 : index
      %get3A_80 = tpu.vector_load %arg12[%get3A_78, %get3A_79] {strides = array<i32>} : memref<128x16xf32, #tpu.memory_space<vmem>>, vector<1x16xf32>,
      %get3A_81 = vector.shape_cast %get3A_80 : vector<1x16xf32> to vector<16xf32>
      %add3A_82 = arith.constant 3 : i32
      %add3A_83 = arith.addi %mul3A_16, %add3A_82 : i32
      %get3A_84 = arith.index_cast %add3A_83 : i32 to index
      %get3A_85 = arith.constant 0 : index
      %get3A_86 = tpu.vector_load %arg12[%get3A_84, %get3A_85] {strides = array<i32>} : memref<128x16xf32, #tpu.memory_space<vmem>>, vector<1x16xf32>,
      %get3A_87 = vector.shape_cast %get3A_86 : vector<1x16xf32> to vector<16xf32>
      %add3A_88 = arith.constant 4 : i32
      %add3A_89 = arith.addi %mul3A_16, %add3A_88 : i32
      %get3A_90 = arith.index_cast %add3A_89 : i32 to index
      %get3A_91 = arith.constant 0 : index
      %get3A_92 = tpu.vector_load %arg12[%get3A_90, %get3A_91] {strides = array<i32>} : memref<128x16xf32, #tpu.memory_space<vmem>>, vector<1x16xf32>,
      %get3A_93 = vector.shape_cast %get3A_92 : vector<1x16xf32> to vector<16xf32>
      %add3A_94 = arith.constant 5 : i32
      %add3A_95 = arith.addi %mul3A_16, %add3A_94 : i32
      %get3A_96 = arith.index_cast %add3A_95 : i32 to index
      %get3A_97 = arith.constant 0 : index
      %get3A_98 = tpu.vector_load %arg12[%get3A_96, %get3A_97] {strides = array<i32>} : memref<128x16xf32, #tpu.memory_space<vmem>>, vector<1x16xf32>,
      %get3A_99 = vector.shape_cast %get3A_98 : vector<1x16xf32> to vector<16xf32>
      %add3A_100 = arith.constant 6 : i32
      %add3A_101 = arith.addi %mul3A_16, %add3A_100 : i32
      %get3A_102 = arith.index_cast %add3A_101 : i32 to index
      %get3A_103 = arith.constant 0 : index
      %get3A_104 = tpu.vector_load %arg12[%get3A_102, %get3A_103] {strides = array<i32>} : memref<128x16xf32, #tpu.memory_space<vmem>>, vector<1x16xf32>,
      %get3A_105 = vector.shape_cast %get3A_104 : vector<1x16xf32> to vector<16xf32>
      %add3A_106 = arith.constant 7 : i32
      %add3A_107 = arith.addi %mul3A_16, %add3A_106 : i32
      %get3A_108 = arith.index_cast %add3A_107 : i32 to index
      %get3A_109 = arith.constant 0 : index
      %get3A_110 = tpu.vector_load %arg12[%get3A_108, %get3A_109] {strides = array<i32>} : memref<128x16xf32, #tpu.memory_space<vmem>>, vector<1x16xf32>,
      %get3A_111 = vector.shape_cast %get3A_110 : vector<1x16xf32> to vector<16xf32>
      %add3A_112 = arith.constant 0 : i32
      %add3A_113 = arith.addi %mul3A_16, %add3A_112 : i32
      %get3A_114 = arith.index_cast %add3A_113 : i32 to index
      %get3A_115 = arith.constant 0 : index
      %get3A_116 = tpu.vector_load %arg13[%get3A_114, %get3A_115] {strides = array<i32>} : memref<128x16xf32, #tpu.memory_space<vmem>>, vector<1x16xf32>,
      %get3A_117 = vector.shape_cast %get3A_116 : vector<1x16xf32> to vector<16xf32>
      %add3A_118 = arith.constant 1 : i32
      %add3A_119 = arith.addi %mul3A_16, %add3A_118 : i32
      %get3A_120 = arith.index_cast %add3A_119 : i32 to index
      %get3A_121 = arith.constant 0 : index
      %get3A_122 = tpu.vector_load %arg13[%get3A_120, %get3A_121] {strides = array<i32>} : memref<128x16xf32, #tpu.memory_space<vmem>>, vector<1x16xf32>,
      %get3A_123 = vector.shape_cast %get3A_122 : vector<1x16xf32> to vector<16xf32>
      %add3A_124 = arith.constant 2 : i32
      %add3A_125 = arith.addi %mul3A_16, %add3A_124 : i32
      %get3A_126 = arith.index_cast %add3A_125 : i32 to index
      %get3A_127 = arith.constant 0 : index
      %get3A_128 = tpu.vector_load %arg13[%get3A_126, %get3A_127] {strides = array<i32>} : memref<128x16xf32, #tpu.memory_space<vmem>>, vector<1x16xf32>,
      %get3A_129 = vector.shape_cast %get3A_128 : vector<1x16xf32> to vector<16xf32>
      %add3A_130 = arith.constant 3 : i32
      %add3A_131 = arith.addi %mul3A_16, %add3A_130 : i32
      %get3A_132 = arith.index_cast %add3A_131 : i32 to index
      %get3A_133 = arith.constant 0 : index
      %get3A_134 = tpu.vector_load %arg13[%get3A_132, %get3A_133] {strides = array<i32>} : memref<128x16xf32, #tpu.memory_space<vmem>>, vector<1x16xf32>,
      %get3A_135 = vector.shape_cast %get3A_134 : vector<1x16xf32> to vector<16xf32>
      %add3A_136 = arith.constant 4 : i32
      %add3A_137 = arith.addi %mul3A_16, %add3A_136 : i32
      %get3A_138 = arith.index_cast %add3A_137 : i32 to index
      %get3A_139 = arith.constant 0 : index
      %get3A_140 = tpu.vector_load %arg13[%get3A_138, %get3A_139] {strides = array<i32>} : memref<128x16xf32, #tpu.memory_space<vmem>>, vector<1x16xf32>,
      %get3A_141 = vector.shape_cast %get3A_140 : vector<1x16xf32> to vector<16xf32>
      %add3A_142 = arith.constant 5 : i32
      %add3A_143 = arith.addi %mul3A_16, %add3A_142 : i32
      %get3A_144 = arith.index_cast %add3A_143 : i32 to index
      %get3A_145 = arith.constant 0 : index
      %get3A_146 = tpu.vector_load %arg13[%get3A_144, %get3A_145] {strides = array<i32>} : memref<128x16xf32, #tpu.memory_space<vmem>>, vector<1x16xf32>,
      %get3A_147 = vector.shape_cast %get3A_146 : vector<1x16xf32> to vector<16xf32>
      %add3A_148 = arith.constant 6 : i32
      %add3A_149 = arith.addi %mul3A_16, %add3A_148 : i32
      %get3A_150 = arith.index_cast %add3A_149 : i32 to index
      %get3A_151 = arith.constant 0 : index
      %get3A_152 = tpu.vector_load %arg13[%get3A_150, %get3A_151] {strides = array<i32>} : memref<128x16xf32, #tpu.memory_space<vmem>>, vector<1x16xf32>,
      %get3A_153 = vector.shape_cast %get3A_152 : vector<1x16xf32> to vector<16xf32>
      %add3A_154 = arith.constant 7 : i32
      %add3A_155 = arith.addi %mul3A_16, %add3A_154 : i32
      %get3A_156 = arith.index_cast %add3A_155 : i32 to index
      %get3A_157 = arith.constant 0 : index
      %get3A_158 = tpu.vector_load %arg13[%get3A_156, %get3A_157] {strides = array<i32>} : memref<128x16xf32, #tpu.memory_space<vmem>>, vector<1x16xf32>,
      %get3A_159 = vector.shape_cast %get3A_158 : vector<1x16xf32> to vector<16xf32>
      %mul3A_160 = arith.mulf %get3A_21, %get3A_21 : vector<16xf32>
      %mul3A_161 = arith.mulf %get3A_69, %get3A_69 : vector<16xf32>
      %add3A_162 = arith.addf %mul3A_160, %mul3A_161 : vector<16xf32>
      %mul3A_163 = arith.mulf %get3A_117, %get3A_117 : vector<16xf32>
      %add3A_164 = arith.addf %add3A_162, %mul3A_163 : vector<16xf32>
      %mul3A_165 = arith.mulf %get3A_27, %get3A_27 : vector<16xf32>
      %mul3A_166 = arith.mulf %get3A_75, %get3A_75 : vector<16xf32>
      %add3A_167 = arith.addf %mul3A_165, %mul3A_166 : vector<16xf32>
      %mul3A_168 = arith.mulf %get3A_123, %get3A_123 : vector<16xf32>
      %add3A_169 = arith.addf %add3A_167, %mul3A_168 : vector<16xf32>
      %mul3A_170 = arith.mulf %get3A_33, %get3A_33 : vector<16xf32>
      %mul3A_171 = arith.mulf %get3A_81, %get3A_81 : vector<16xf32>
      %add3A_172 = arith.addf %mul3A_170, %mul3A_171 : vector<16xf32>
      %mul3A_173 = arith.mulf %get3A_129, %get3A_129 : vector<16xf32>
      %add3A_174 = arith.addf %add3A_172, %mul3A_173 : vector<16xf32>
      %mul3A_175 = arith.mulf %get3A_39, %get3A_39 : vector<16xf32>
      %mul3A_176 = arith.mulf %get3A_87, %get3A_87 : vector<16xf32>
      %add3A_177 = arith.addf %mul3A_175, %mul3A_176 : vector<16xf32>
      %mul3A_178 = arith.mulf %get3A_135, %get3A_135 : vector<16xf32>
      %add3A_179 = arith.addf %add3A_177, %mul3A_178 : vector<16xf32>
      %mul3A_180 = arith.mulf %get3A_45, %get3A_45 : vector<16xf32>
      %mul3A_181 = arith.mulf %get3A_93, %get3A_93 : vector<16xf32>
      %add3A_182 = arith.addf %mul3A_180, %mul3A_181 : vector<16xf32>
      %mul3A_183 = arith.mulf %get3A_141, %get3A_141 : vector<16xf32>
      %add3A_184 = arith.addf %add3A_182, %mul3A_183 : vector<16xf32>
      %mul3A_185 = arith.mulf %get3A_51, %get3A_51 : vector<16xf32>
      %mul3A_186 = arith.mulf %get3A_99, %get3A_99 : vector<16xf32>
      %add3A_187 = arith.addf %mul3A_185, %mul3A_186 : vector<16xf32>
      %mul3A_188 = arith.mulf %get3A_147, %get3A_147 : vector<16xf32>
      %add3A_189 = arith.addf %add3A_187, %mul3A_188 : vector<16xf32>
      %mul3A_190 = arith.mulf %get3A_57, %get3A_57 : vector<16xf32>
      %mul3A_191 = arith.mulf %get3A_105, %get3A_105 : vector<16xf32>
      %add3A_192 = arith.addf %mul3A_190, %mul3A_191 : vector<16xf32>
      %mul3A_193 = arith.mulf %get3A_153, %get3A_153 : vector<16xf32>
      %add3A_194 = arith.addf %add3A_192, %mul3A_193 : vector<16xf32>
      %mul3A_195 = arith.mulf %get3A_63, %get3A_63 : vector<16xf32>
      %mul3A_196 = arith.mulf %get3A_111, %get3A_111 : vector<16xf32>
      %add3A_197 = arith.addf %mul3A_195, %mul3A_196 : vector<16xf32>
      %mul3A_198 = arith.mulf %get3A_159, %get3A_159 : vector<16xf32>
      %add3A_199 = arith.addf %add3A_197, %mul3A_198 : vector<16xf32>
      %broadcast_in_dim3A = arith.constant 3.400000e+38 : f32
      %broadcast_in_dim3A_200 = vector.broadcast %broadcast_in_dim3A : f32 to vector<16xf32>
      %broadcast_in_dim3A_201 = arith.constant 3.400000e+38 : f32
      %broadcast_in_dim3A_202 = vector.broadcast %broadcast_in_dim3A_201 : f32 to vector<16xf32>
      %broadcast_in_dim3A_203 = arith.constant 3.400000e+38 : f32
      %broadcast_in_dim3A_204 = vector.broadcast %broadcast_in_dim3A_203 : f32 to vector<16xf32>
      %broadcast_in_dim3A_205 = arith.constant 3.400000e+38 : f32
      %broadcast_in_dim3A_206 = vector.broadcast %broadcast_in_dim3A_205 : f32 to vector<16xf32>
      %broadcast_in_dim3A_207 = arith.constant 3.400000e+38 : f32
      %broadcast_in_dim3A_208 = vector.broadcast %broadcast_in_dim3A_207 : f32 to vector<16xf32>
      %broadcast_in_dim3A_209 = arith.constant 3.400000e+38 : f32
      %broadcast_in_dim3A_210 = vector.broadcast %broadcast_in_dim3A_209 : f32 to vector<16xf32>
      %broadcast_in_dim3A_211 = arith.constant 3.400000e+38 : f32
      %broadcast_in_dim3A_212 = vector.broadcast %broadcast_in_dim3A_211 : f32 to vector<16xf32>
      %broadcast_in_dim3A_213 = arith.constant 3.400000e+38 : f32
      %broadcast_in_dim3A_214 = vector.broadcast %broadcast_in_dim3A_213 : f32 to vector<16xf32>
      %scan3A_215 = arith.constant 0 : i32
      %scan3A_216 = arith.constant 256 : i32
      %scan3A_217 = arith.addi %scan3A_215, %scan3A_216 : i32
      %scan3A_218 = arith.constant 1 : i32
      %scan3A_219:8 = scf.for %scan3A_284 = %scan3A_215 to %scan3A_217 step %scan3A_218 iter_args(%scan3A_285 = %broadcast_in_dim3A_200, %scan3A_286 = %broadcast_in_dim3A_202, %scan3A_287 = %broadcast_in_dim3A_204, %scan3A_288 = %broadcast_in_dim3A_206, %scan3A_289 = %broadcast_in_dim3A_208, %scan3A_290 = %broadcast_in_dim3A_210, %scan3A_291 = %broadcast_in_dim3A_212, %scan3A_292 = %broadcast_in_dim3A_214) -> (vector<16xf32>, vector<16xf32>, vector<16xf32>, vector<16xf32>, vector<16xf32>, vector<16xf32>, vector<16xf32>, vector<16xf32>)  : i32 {
        %mul3A_293 = arith.constant 16 : i32
        %mul3A_294 = arith.muli %scan3A_284, %mul3A_293 : i32
        %get3A_295 = arith.index_cast %mul3A_294 : i32 to index
        %get3A_296 = tpu.vector_load %arg14[%get3A_295] {strides = array<i32>} : memref<4096xf32, #tpu.memory_space<vmem>>, vector<16xf32>,
        %get3A_297 = vector.shape_cast %get3A_296 : vector<16xf32> to vector<16xf32>
        %get3A_298 = arith.index_cast %mul3A_294 : i32 to index
        %get3A_299 = tpu.vector_load %arg15[%get3A_298] {strides = array<i32>} : memref<4096xf32, #tpu.memory_space<vmem>>, vector<16xf32>,
        %get3A_300 = vector.shape_cast %get3A_299 : vector<16xf32> to vector<16xf32>
        %get3A_301 = arith.index_cast %mul3A_294 : i32 to index
        %get3A_302 = tpu.vector_load %arg16[%get3A_301] {strides = array<i32>} : memref<4096xf32, #tpu.memory_space<vmem>>, vector<16xf32>,
        %get3A_303 = vector.shape_cast %get3A_302 : vector<16xf32> to vector<16xf32>
        %get3A_304 = arith.index_cast %mul3A_294 : i32 to index
        %get3A_305 = tpu.vector_load %arg17[%get3A_304] {strides = array<i32>} : memref<4096xf32, #tpu.memory_space<vmem>>, vector<16xf32>,
        %get3A_306 = vector.shape_cast %get3A_305 : vector<16xf32> to vector<16xf32>
        %mul3A_307 = arith.mulf %get3A_21, %get3A_297 : vector<16xf32>
        %add3A_308 = arith.addf %mul3A_307, %get3A_306 : vector<16xf32>
        %mul3A_309 = arith.mulf %get3A_69, %get3A_300 : vector<16xf32>
        %add3A_310 = arith.addf %add3A_308, %mul3A_309 : vector<16xf32>
        %mul3A_311 = arith.mulf %get3A_117, %get3A_303 : vector<16xf32>
        %add3A_312 = arith.addf %add3A_310, %mul3A_311 : vector<16xf32>
        %mul3A_313 = arith.mulf %get3A_27, %get3A_297 : vector<16xf32>
        %add3A_314 = arith.addf %mul3A_313, %get3A_306 : vector<16xf32>
        %mul3A_315 = arith.mulf %get3A_75, %get3A_300 : vector<16xf32>
        %add3A_316 = arith.addf %add3A_314, %mul3A_315 : vector<16xf32>
        %mul3A_317 = arith.mulf %get3A_123, %get3A_303 : vector<16xf32>
        %add3A_318 = arith.addf %add3A_316, %mul3A_317 : vector<16xf32>
        %mul3A_319 = arith.mulf %get3A_33, %get3A_297 : vector<16xf32>
        %add3A_320 = arith.addf %mul3A_319, %get3A_306 : vector<16xf32>
        %mul3A_321 = arith.mulf %get3A_81, %get3A_300 : vector<16xf32>
        %add3A_322 = arith.addf %add3A_320, %mul3A_321 : vector<16xf32>
        %mul3A_323 = arith.mulf %get3A_129, %get3A_303 : vector<16xf32>
        %add3A_324 = arith.addf %add3A_322, %mul3A_323 : vector<16xf32>
        %mul3A_325 = arith.mulf %get3A_39, %get3A_297 : vector<16xf32>
        %add3A_326 = arith.addf %mul3A_325, %get3A_306 : vector<16xf32>
        %mul3A_327 = arith.mulf %get3A_87, %get3A_300 : vector<16xf32>
        %add3A_328 = arith.addf %add3A_326, %mul3A_327 : vector<16xf32>
        %mul3A_329 = arith.mulf %get3A_135, %get3A_303 : vector<16xf32>
        %add3A_330 = arith.addf %add3A_328, %mul3A_329 : vector<16xf32>
        %mul3A_331 = arith.mulf %get3A_45, %get3A_297 : vector<16xf32>
        %add3A_332 = arith.addf %mul3A_331, %get3A_306 : vector<16xf32>
        %mul3A_333 = arith.mulf %get3A_93, %get3A_300 : vector<16xf32>
        %add3A_334 = arith.addf %add3A_332, %mul3A_333 : vector<16xf32>
        %mul3A_335 = arith.mulf %get3A_141, %get3A_303 : vector<16xf32>
        %add3A_336 = arith.addf %add3A_334, %mul3A_335 : vector<16xf32>
        %mul3A_337 = arith.mulf %get3A_51, %get3A_297 : vector<16xf32>
        %add3A_338 = arith.addf %mul3A_337, %get3A_306 : vector<16xf32>
        %mul3A_339 = arith.mulf %get3A_99, %get3A_300 : vector<16xf32>
        %add3A_340 = arith.addf %add3A_338, %mul3A_339 : vector<16xf32>
        %mul3A_341 = arith.mulf %get3A_147, %get3A_303 : vector<16xf32>
        %add3A_342 = arith.addf %add3A_340, %mul3A_341 : vector<16xf32>
        %mul3A_343 = arith.mulf %get3A_57, %get3A_297 : vector<16xf32>
        %add3A_344 = arith.addf %mul3A_343, %get3A_306 : vector<16xf32>
        %mul3A_345 = arith.mulf %get3A_105, %get3A_300 : vector<16xf32>
        %add3A_346 = arith.addf %add3A_344, %mul3A_345 : vector<16xf32>
        %mul3A_347 = arith.mulf %get3A_153, %get3A_303 : vector<16xf32>
        %add3A_348 = arith.addf %add3A_346, %mul3A_347 : vector<16xf32>
        %mul3A_349 = arith.mulf %get3A_63, %get3A_297 : vector<16xf32>
        %add3A_350 = arith.addf %mul3A_349, %get3A_306 : vector<16xf32>
        %mul3A_351 = arith.mulf %get3A_111, %get3A_300 : vector<16xf32>
        %add3A_352 = arith.addf %add3A_350, %mul3A_351 : vector<16xf32>
        %mul3A_353 = arith.mulf %get3A_159, %get3A_303 : vector<16xf32>
        %add3A_354 = arith.addf %add3A_352, %mul3A_353 : vector<16xf32>
        %add3A_355 = arith.addf %add3A_312, %add3A_164 : vector<16xf32>
        %add3A_356 = arith.addf %add3A_318, %add3A_169 : vector<16xf32>
        %min3A = arith.minimumf %add3A_355, %add3A_356 : vector<16xf32>
        %add3A_357 = arith.addf %add3A_324, %add3A_174 : vector<16xf32>
        %min3A_358 = arith.minimumf %min3A, %add3A_357 : vector<16xf32>
        %add3A_359 = arith.addf %add3A_330, %add3A_179 : vector<16xf32>
        %min3A_360 = arith.minimumf %min3A_358, %add3A_359 : vector<16xf32>
        %add3A_361 = arith.addf %add3A_336, %add3A_184 : vector<16xf32>
        %min3A_362 = arith.minimumf %min3A_360, %add3A_361 : vector<16xf32>
        %add3A_363 = arith.addf %add3A_342, %add3A_189 : vector<16xf32>
        %min3A_364 = arith.minimumf %min3A_362, %add3A_363 : vector<16xf32>
        %add3A_365 = arith.addf %add3A_348, %add3A_194 : vector<16xf32>
        %min3A_366 = arith.minimumf %min3A_364, %add3A_365 : vector<16xf32>
        %add3A_367 = arith.addf %add3A_354, %add3A_199 : vector<16xf32>
        %min3A_368 = arith.minimumf %min3A_366, %add3A_367 : vector<16xf32>
        %get3A_369 = arith.index_cast %mul3A_294 : i32 to index
        %get3A_370 = tpu.vector_load %arg19[%get3A_369] {strides = array<i32>} : memref<4096xf32, #tpu.memory_space<vmem>>, vector<16xf32>,
        %get3A_371 = vector.shape_cast %get3A_370 : vector<16xf32> to vector<16xf32>
        %min3A_372 = arith.minimumf %get3A_371, %min3A_368 : vector<16xf32>
        %swap3A_373 = arith.index_cast %mul3A_294 : i32 to index
        %swap3A_374 = tpu.vector_load %arg19[%swap3A_373] {strides = array<i32>} : memref<4096xf32, #tpu.memory_space<vmem>>, vector<16xf32>,
        %swap3A_375 = vector.shape_cast %swap3A_374 : vector<16xf32> to vector<16xf32>
        %swap3A_376 = vector.shape_cast %min3A_372 : vector<16xf32> to vector<16xf32>
        tpu.vector_store %arg19[%swap3A_373], %swap3A_376 {strides = array<i32>} : memref<4096xf32, #tpu.memory_space<vmem>>, vector<16xf32>,
        %min3A_377 = arith.minimumf %scan3A_285, %add3A_312 : vector<16xf32>
        %min3A_378 = arith.minimumf %scan3A_286, %add3A_318 : vector<16xf32>
        %min3A_379 = arith.minimumf %scan3A_287, %add3A_324 : vector<16xf32>
        %min3A_380 = arith.minimumf %scan3A_288, %add3A_330 : vector<16xf32>
        %min3A_381 = arith.minimumf %scan3A_289, %add3A_336 : vector<16xf32>
        %min3A_382 = arith.minimumf %scan3A_290, %add3A_342 : vector<16xf32>
        %min3A_383 = arith.minimumf %scan3A_291, %add3A_348 : vector<16xf32>
        %min3A_384 = arith.minimumf %scan3A_292, %add3A_354 : vector<16xf32>
        scf.yield %min3A_377, %min3A_378, %min3A_379, %min3A_380, %min3A_381, %min3A_382, %min3A_383, %min3A_384 : vector<16xf32>, vector<16xf32>, vector<16xf32>, vector<16xf32>, vector<16xf32>, vector<16xf32>, vector<16xf32>, vector<16xf32>
      }
      %scan3A_220 = arith.constant 256 : i32
      %add3A_221 = arith.addf %scan3A_219#0, %add3A_164 : vector<16xf32>
      %add3A_222 = arith.constant 0 : i32
      %add3A_223 = arith.addi %mul3A_16, %add3A_222 : i32
      %swap3A = arith.index_cast %add3A_223 : i32 to index
      %swap3A_224 = arith.constant 0 : index
      %swap3A_225 = tpu.vector_load %arg18[%swap3A, %swap3A_224] {strides = array<i32>} : memref<128x16xf32, #tpu.memory_space<vmem>>, vector<1x16xf32>,
      %swap3A_226 = vector.shape_cast %swap3A_225 : vector<1x16xf32> to vector<16xf32>
      %swap3A_227 = vector.shape_cast %add3A_221 : vector<16xf32> to vector<1x16xf32>
      tpu.vector_store %arg18[%swap3A, %swap3A_224], %swap3A_227 {strides = array<i32>} : memref<128x16xf32, #tpu.memory_space<vmem>>, vector<1x16xf32>,
      %add3A_228 = arith.addf %scan3A_219#1, %add3A_169 : vector<16xf32>
      %add3A_229 = arith.constant 1 : i32
      %add3A_230 = arith.addi %mul3A_16, %add3A_229 : i32
      %swap3A_231 = arith.index_cast %add3A_230 : i32 to index
      %swap3A_232 = arith.constant 0 : index
      %swap3A_233 = tpu.vector_load %arg18[%swap3A_231, %swap3A_232] {strides = array<i32>} : memref<128x16xf32, #tpu.memory_space<vmem>>, vector<1x16xf32>,
      %swap3A_234 = vector.shape_cast %swap3A_233 : vector<1x16xf32> to vector<16xf32>
      %swap3A_235 = vector.shape_cast %add3A_228 : vector<16xf32> to vector<1x16xf32>
      tpu.vector_store %arg18[%swap3A_231, %swap3A_232], %swap3A_235 {strides = array<i32>} : memref<128x16xf32, #tpu.memory_space<vmem>>, vector<1x16xf32>,
      %add3A_236 = arith.addf %scan3A_219#2, %add3A_174 : vector<16xf32>
      %add3A_237 = arith.constant 2 : i32
      %add3A_238 = arith.addi %mul3A_16, %add3A_237 : i32
      %swap3A_239 = arith.index_cast %add3A_238 : i32 to index
      %swap3A_240 = arith.constant 0 : index
      %swap3A_241 = tpu.vector_load %arg18[%swap3A_239, %swap3A_240] {strides = array<i32>} : memref<128x16xf32, #tpu.memory_space<vmem>>, vector<1x16xf32>,
      %swap3A_242 = vector.shape_cast %swap3A_241 : vector<1x16xf32> to vector<16xf32>
      %swap3A_243 = vector.shape_cast %add3A_236 : vector<16xf32> to vector<1x16xf32>
      tpu.vector_store %arg18[%swap3A_239, %swap3A_240], %swap3A_243 {strides = array<i32>} : memref<128x16xf32, #tpu.memory_space<vmem>>, vector<1x16xf32>,
      %add3A_244 = arith.addf %scan3A_219#3, %add3A_179 : vector<16xf32>
      %add3A_245 = arith.constant 3 : i32
      %add3A_246 = arith.addi %mul3A_16, %add3A_245 : i32
      %swap3A_247 = arith.index_cast %add3A_246 : i32 to index
      %swap3A_248 = arith.constant 0 : index
      %swap3A_249 = tpu.vector_load %arg18[%swap3A_247, %swap3A_248] {strides = array<i32>} : memref<128x16xf32, #tpu.memory_space<vmem>>, vector<1x16xf32>,
      %swap3A_250 = vector.shape_cast %swap3A_249 : vector<1x16xf32> to vector<16xf32>
      %swap3A_251 = vector.shape_cast %add3A_244 : vector<16xf32> to vector<1x16xf32>
      tpu.vector_store %arg18[%swap3A_247, %swap3A_248], %swap3A_251 {strides = array<i32>} : memref<128x16xf32, #tpu.memory_space<vmem>>, vector<1x16xf32>,
      %add3A_252 = arith.addf %scan3A_219#4, %add3A_184 : vector<16xf32>
      %add3A_253 = arith.constant 4 : i32
      %add3A_254 = arith.addi %mul3A_16, %add3A_253 : i32
      %swap3A_255 = arith.index_cast %add3A_254 : i32 to index
      %swap3A_256 = arith.constant 0 : index
      %swap3A_257 = tpu.vector_load %arg18[%swap3A_255, %swap3A_256] {strides = array<i32>} : memref<128x16xf32, #tpu.memory_space<vmem>>, vector<1x16xf32>,
      %swap3A_258 = vector.shape_cast %swap3A_257 : vector<1x16xf32> to vector<16xf32>
      %swap3A_259 = vector.shape_cast %add3A_252 : vector<16xf32> to vector<1x16xf32>
      tpu.vector_store %arg18[%swap3A_255, %swap3A_256], %swap3A_259 {strides = array<i32>} : memref<128x16xf32, #tpu.memory_space<vmem>>, vector<1x16xf32>,
      %add3A_260 = arith.addf %scan3A_219#5, %add3A_189 : vector<16xf32>
      %add3A_261 = arith.constant 5 : i32
      %add3A_262 = arith.addi %mul3A_16, %add3A_261 : i32
      %swap3A_263 = arith.index_cast %add3A_262 : i32 to index
      %swap3A_264 = arith.constant 0 : index
      %swap3A_265 = tpu.vector_load %arg18[%swap3A_263, %swap3A_264] {strides = array<i32>} : memref<128x16xf32, #tpu.memory_space<vmem>>, vector<1x16xf32>,
      %swap3A_266 = vector.shape_cast %swap3A_265 : vector<1x16xf32> to vector<16xf32>
      %swap3A_267 = vector.shape_cast %add3A_260 : vector<16xf32> to vector<1x16xf32>
      tpu.vector_store %arg18[%swap3A_263, %swap3A_264], %swap3A_267 {strides = array<i32>} : memref<128x16xf32, #tpu.memory_space<vmem>>, vector<1x16xf32>,
      %add3A_268 = arith.addf %scan3A_219#6, %add3A_194 : vector<16xf32>
      %add3A_269 = arith.constant 6 : i32
      %add3A_270 = arith.addi %mul3A_16, %add3A_269 : i32
      %swap3A_271 = arith.index_cast %add3A_270 : i32 to index
      %swap3A_272 = arith.constant 0 : index
      %swap3A_273 = tpu.vector_load %arg18[%swap3A_271, %swap3A_272] {strides = array<i32>} : memref<128x16xf32, #tpu.memory_space<vmem>>, vector<1x16xf32>,
      %swap3A_274 = vector.shape_cast %swap3A_273 : vector<1x16xf32> to vector<16xf32>
      %swap3A_275 = vector.shape_cast %add3A_268 : vector<16xf32> to vector<1x16xf32>
      tpu.vector_store %arg18[%swap3A_271, %swap3A_272], %swap3A_275 {strides = array<i32>} : memref<128x16xf32, #tpu.memory_space<vmem>>, vector<1x16xf32>,
      %add3A_276 = arith.addf %scan3A_219#7, %add3A_199 : vector<16xf32>
      %add3A_277 = arith.constant 7 : i32
      %add3A_278 = arith.addi %mul3A_16, %add3A_277 : i32
      %swap3A_279 = arith.index_cast %add3A_278 : i32 to index
      %swap3A_280 = arith.constant 0 : index
      %swap3A_281 = tpu.vector_load %arg18[%swap3A_279, %swap3A_280] {strides = array<i32>} : memref<128x16xf32, #tpu.memory_space<vmem>>, vector<1x16xf32>,
      %swap3A_282 = vector.shape_cast %swap3A_281 : vector<1x16xf32> to vector<16xf32>
      %swap3A_283 = vector.shape_cast %add3A_276 : vector<16xf32> to vector<1x16xf32>
      tpu.vector_store %arg18[%swap3A_279, %swap3A_280], %swap3A_283 {strides = array<i32>} : memref<128x16xf32, #tpu.memory_space<vmem>>, vector<1x16xf32>,
    }
    %scan3A_13 = arith.constant 16 : i32
    "tpu.region"() ({
      %run_scoped3A = tpu.sem_alloc : memref<!tpu.dma_semaphore, #tpu.memory_space<semaphore_mem>>
      %dma_start3A = arith.constant 0 : i32
      %dma_start3A_14 = tpu.memref_slice %arg9[%mul3A_2, %dma_start3A] : memref<4096x16xf32, #tpu.memory_space<hbm>> -> memref<128x16xf32, #tpu.memory_space<hbm>>
      %dma_start3A_15 = arith.constant 0 : i32
      %dma_start3A_16 = tpu.memref_slice %arg9[%mul3A_2, %dma_start3A_15] : memref<4096x16xf32, #tpu.memory_space<hbm>> -> memref<128x16xf32, #tpu.memory_space<hbm>>
      tpu.enqueue_dma source(%arg18 : memref<128x16xf32, #tpu.memory_space<vmem>>) target(%dma_start3A_16 : memref<128x16xf32, #tpu.memory_space<hbm>>) target_semaphore(%run_scoped3A : memref<!tpu.dma_semaphore, #tpu.memory_space<semaphore_mem>>)
      %dma_wait3A = arith.constant 0 : i32
      %dma_wait3A_17 = tpu.memref_slice %arg9[%mul3A_2, %dma_wait3A] : memref<4096x16xf32, #tpu.memory_space<hbm>> -> memref<128x16xf32, #tpu.memory_space<hbm>>
      %dma_wait3A_18 = arith.constant 0 : i32
      %dma_wait3A_19 = tpu.memref_slice %arg9[%mul3A_2, %dma_wait3A_18] : memref<4096x16xf32, #tpu.memory_space<hbm>> -> memref<128x16xf32, #tpu.memory_space<hbm>>
      tpu.wait_dma2 semaphore(%run_scoped3A : memref<!tpu.dma_semaphore, #tpu.memory_space<semaphore_mem>>) src(%arg18 : memref<128x16xf32, #tpu.memory_space<vmem>>) dst(%dma_wait3A_19 : memref<128x16xf32, #tpu.memory_space<hbm>>)
      tpu.yield
    }) : () -> ()
    "tpu.region"() ({
      %run_scoped3A = tpu.sem_alloc : memref<!tpu.dma_semaphore, #tpu.memory_space<semaphore_mem>>
      %dma_start3A = arith.constant 0 : i32
      %dma_start3A_14 = tpu.memref_slice %arg10[%add3A, %dma_start3A] : memref<32x4096xf32, #tpu.memory_space<hbm>> -> memref<1x4096xf32, #tpu.memory_space<hbm>>
      %dma_start3A_15 = tpu.memref_squeeze %dma_start3A_14 : memref<1x4096xf32, #tpu.memory_space<hbm>> -> memref<4096xf32, #tpu.memory_space<hbm>>
      %dma_start3A_16 = arith.constant 0 : i32
      %dma_start3A_17 = tpu.memref_slice %arg10[%add3A, %dma_start3A_16] : memref<32x4096xf32, #tpu.memory_space<hbm>> -> memref<1x4096xf32, #tpu.memory_space<hbm>>
      %dma_start3A_18 = tpu.memref_squeeze %dma_start3A_17 : memref<1x4096xf32, #tpu.memory_space<hbm>> -> memref<4096xf32, #tpu.memory_space<hbm>>
      tpu.enqueue_dma source(%arg19 : memref<4096xf32, #tpu.memory_space<vmem>>) target(%dma_start3A_18 : memref<4096xf32, #tpu.memory_space<hbm>>) target_semaphore(%run_scoped3A : memref<!tpu.dma_semaphore, #tpu.memory_space<semaphore_mem>>)
      %dma_wait3A = arith.constant 0 : i32
      %dma_wait3A_19 = tpu.memref_slice %arg10[%add3A, %dma_wait3A] : memref<32x4096xf32, #tpu.memory_space<hbm>> -> memref<1x4096xf32, #tpu.memory_space<hbm>>
      %dma_wait3A_20 = tpu.memref_squeeze %dma_wait3A_19 : memref<1x4096xf32, #tpu.memory_space<hbm>> -> memref<4096xf32, #tpu.memory_space<hbm>>
      %dma_wait3A_21 = arith.constant 0 : i32
      %dma_wait3A_22 = tpu.memref_slice %arg10[%add3A, %dma_wait3A_21] : memref<32x4096xf32, #tpu.memory_space<hbm>> -> memref<1x4096xf32, #tpu.memory_space<hbm>>
      %dma_wait3A_23 = tpu.memref_squeeze %dma_wait3A_22 : memref<1x4096xf32, #tpu.memory_space<hbm>> -> memref<4096xf32, #tpu.memory_space<hbm>>
      tpu.wait_dma2 semaphore(%run_scoped3A : memref<!tpu.dma_semaphore, #tpu.memory_space<semaphore_mem>>) src(%arg19 : memref<4096xf32, #tpu.memory_space<vmem>>) dst(%dma_wait3A_23 : memref<4096xf32, #tpu.memory_space<hbm>>)
      tpu.yield
    }) : () -> ()
    return
  }
}

module attributes {stable_mosaic.version = 14 : i64} {
  func.func @_tc_finish(%arg0: memref<4096x16xf32, #tpu.memory_space<vmem>>, %arg1: memref<32x4096xf32, #tpu.memory_space<vmem>>, %arg2: memref<1x1xf32, #tpu.memory_space<vmem>>) attributes {dimension_semantics = [], scalar_prefetch = 0 : i64, scratch_operands = 0 : i64, tpu.core_type = #tpu.core_type<tc>} {
    %get3A = arith.constant 0 : index
    %get3A_0 = arith.constant 0 : index
    %get3A_1 = vector.load %arg0[%get3A, %get3A_0] : memref<4096x16xf32, #tpu.memory_space<vmem>>, vector<4096x16xf32>
    %reduce_min3A = arith.constant dense<0x7F800000> : vector<4096xf32>
    %reduce_min3A_2 = vector.multi_reduction <minimumf>, %get3A_1, %reduce_min3A [1] : vector<4096x16xf32> to vector<4096xf32>
    %get3A_3 = arith.constant 0 : index
    %get3A_4 = arith.constant 0 : index
    %get3A_5 = vector.load %arg1[%get3A_3, %get3A_4] : memref<32x4096xf32, #tpu.memory_space<vmem>>, vector<32x4096xf32>
    %reduce_min3A_6 = arith.constant dense<0x7F800000> : vector<4096xf32>
    %reduce_min3A_7 = vector.multi_reduction <minimumf>, %get3A_5, %reduce_min3A_6 [0] : vector<32x4096xf32> to vector<4096xf32>
    %max3A = arith.constant 0.000000e+00 : f32
    %max3A_8 = vector.broadcast %max3A : f32 to vector<4096xf32>
    %max3A_9 = arith.maximumf %reduce_min3A_2, %max3A_8 : vector<4096xf32>
    %max3A_10 = arith.constant 0.000000e+00 : f32
    %max3A_11 = vector.broadcast %max3A_10 : f32 to vector<4096xf32>
    %max3A_12 = arith.maximumf %reduce_min3A_7, %max3A_11 : vector<4096xf32>
    %sqrt3A = math.sqrt %max3A_9 : vector<4096xf32>
    %reduce_sum3A = vector.shape_cast %sqrt3A : vector<4096xf32> to vector<1x4096xf32>
    %reduce_sum3A_13 = arith.constant dense<0.000000e+00> : vector<1xf32>
    %reduce_sum3A_14 = vector.multi_reduction <add>, %reduce_sum3A, %reduce_sum3A_13 [1] : vector<1x4096xf32> to vector<1xf32>
    %reduce_sum3A_15 = vector.shape_cast %reduce_sum3A_14 : vector<1xf32> to vector<1x1xf32>
    %reduce_sum3A_16 = vector.extract %reduce_sum3A_15[0, 0] : f32 from vector<1x1xf32>
    %sqrt3A_17 = math.sqrt %max3A_12 : vector<4096xf32>
    %reduce_sum3A_18 = vector.shape_cast %sqrt3A_17 : vector<4096xf32> to vector<1x4096xf32>
    %reduce_sum3A_19 = arith.constant dense<0.000000e+00> : vector<1xf32>
    %reduce_sum3A_20 = vector.multi_reduction <add>, %reduce_sum3A_18, %reduce_sum3A_19 [1] : vector<1x4096xf32> to vector<1xf32>
    %reduce_sum3A_21 = vector.shape_cast %reduce_sum3A_20 : vector<1xf32> to vector<1x1xf32>
    %reduce_sum3A_22 = vector.extract %reduce_sum3A_21[0, 0] : f32 from vector<1x1xf32>
    %add3A = arith.addf %reduce_sum3A_16, %reduce_sum3A_22 : f32
    %mul3A = arith.constant 2.44140625E-4 : f32
    %mul3A_23 = arith.mulf %add3A, %mul3A : f32
    %broadcast_in_dim3A = vector.broadcast %mul3A_23 : f32 to vector<1x1xf32>
    %swap3A = arith.constant 0 : index
    %swap3A_24 = arith.constant 0 : index
    %swap3A_25 = vector.load %arg2[%swap3A, %swap3A_24] : memref<1x1xf32, #tpu.memory_space<vmem>>, vector<1x1xf32>
    tpu.vector_store %arg2[%swap3A, %swap3A_24], %broadcast_in_dim3A {strides = array<i32>} : memref<1x1xf32, #tpu.memory_space<vmem>>, vector<1x1xf32>,
    return
  }
}

</mosaic_0001>

<sc_bundles>
// kernel: kernel.4.cloned.1.call-start
scs
__scs_entry_jumppad:
0x0: {  	(pc) =	sbr.rel $0x88, $3  }
0x1: {  	(tag) =	ssettag $0x0;
	lr =	simm.s32 $0x1  }
0x2: {  	[smem:$0x3F9F] =	sst lr;
	_ =	strace $0xD0000000  }
0x3: {  	_ = 	snop  }
0x4: {  	_ = 	snop  }
0x5: {  	_ = 	snop  }
0x6: {  	_ = 	snop  }
0x7: {  	_ = 	snop  }
__scs_overlays_trampoline_lowered:
0x8: {  	[smem:$0x3FAE] =	sst s0  }
0x9: {  	[smem:$0x3FAF] =	sst s1  }
0xa: {  	[smem:$0x3FB0] =	sst s2  }
0xb: {  	[smem:$0x3FB1] =	sst s3  }
0xc: {  	[smem:$0x3FB2] =	sst s4  }
0xd: {  	[smem:$0x3FB3] =	sst s5  }
0xe: {  	[smem:$0x3FB4] =	sst s6  }
0xf: {  	[smem:$0x3FB5] =	sst s7  }
0x10: {  	[smem:$0x3FB6] =	sst s8  }
0x11: {  	[smem:$0x3FB7] =	sst s9;
	s0 =	simm.s32 @!p0 $0x0  }
0x12: {  	s1 =	sld [smem:$0x3F9D];
	s0 =	simm.s32 @p0 $0x1  }
0x13: {  	[smem:$0x3FB8] =	sst s0;
	s0 =	simm.s32 @!p1 $0x0  }
0x14: {  	s2 =	sld [smem:$0x3F9C];
	s0 =	simm.s32 @p1 $0x1  }
0x15: {  	[smem:$0x3FB9] =	sst s0;
	s0 =	simm.s32 @!p2 $0x0  }
0x16: {  	s3 =	sld [smem:$0x3FDB];
	s0 =	simm.s32 @p2 $0x1  }
0x17: {  	s4 =	simm.s32 $0x1BF5;
	[smem:$0x3FBB] =	sst s0  }
0x18: {  	s0 =	sld [smem:$0x3F9E];
	_ =	swait.ge [sflag:s4], $0x0  }
0x19: {  	s7 =	sld [smem:$0x3F9F]  }
0x1a: {  	s8 =	sadd.s32 $0xFFFFE003, lr  }
0x1b: {  	s9 =	sadd.s32 $0xFFFFFEF7, lr;
	s5 =	simm.s32 $0xFFFFFFFF;
	p2 =	slt.u32 s8, $0xFFFFF086  }
0x1c: {  	p1 =	slt.u32 s9, $0xF7A;
	s5 =	simm.s32 @!p2 $0x0  }
0x1d: {  	s5 =	simm.s32 @p1 $0x1;
	p0 =	seq.s32 s7, s2  }
0x1e: {  	s7 =	smul.u32 @!p0 $0xF7A, s2;
	p2 =	seq.s32 @!p0 s5, $0x0  }
0x1f: {  	s9 =	smul.u32 $0xF7A, s1;
	s8 =	simm.s32 @!p0 $0x1BF5;
	p2 =	por !p2, p0  }
0x20: {  	[sflag:s8] =	ssyncset.s32 @!p0 $0xFFFFF086;
	s6 =	sadd.s32 @!p0 s3, s7;
	s7 =	simm.s32 @!p0 $0x108  }
0x21: {  	s3 =	sadd.s32 s3, s9;
	s6 =	sadd.s32 @!p0 $0x88, s6;
	s7 =	simm.s32 @p2 $0x1082  }
0x22: {  	[simem:s7], [sflag:s8] =	dma.local @!p0 [hbm:s6], $0xF7A  }
0x23: {  	s9 =	sor.u32 $0xD0000000, s2;
	s6 =	simm.s32 $0x108;
	_ =	swait.ge @!p0 [sflag:s8], $0x0  }
0x24: {  	s3 =	sadd.s32 $0x88, s3;
	s6 =	simm.s32 @!p1 $0x1082;
	[sflag:s4] =	ssyncset.s32 $0xFFFFF086  }
0x25: {  	[simem:s6], [sflag:s4] =	dma.local [hbm:s3], $0xF7A  }
0x26: {  	[smem:$0x3F9F] =	sst s1;
	(tag) =	ssettag s2;
	_ =	strace s9  }
0x27: {  	s1 =	sld [smem:$0x3FAF]  }
0x28: {  	s2 =	sld [smem:$0x3FB0]  }
0x29: {  	s4 =	sld [smem:$0x3FB2]  }
0x2a: {  	p0 =	seq.s32 s5, $0x0;
	s5 =	sld [smem:$0x3FB3]  }
0x2b: {  	s6 =	sld [smem:$0x3FB4]  }
0x2c: {  	s7 =	sld [smem:$0x3FB5]  }
0x2d: {  	s3 =	simm.s32 $0x108;
	s8 =	sld [smem:$0x3FB6]  }
0x2e: {  	s3 =	simm.s32 @!p0 $0x1082;
	s9 =	sld [smem:$0x3FB7]  }
0x2f: {  	lr =	sadd.s32 s0, s3;
	s0 =	sld [smem:$0x3FAE]  }
0x30: {  	s3 =	sld [smem:$0x3FB1]  }
0x31: {  	[smem:$0x3FBA] =	sst s10  }
0x32: {  	s10 =	sld [smem:$0x3FB8];
	_ =	sdelay $0x3  }
0x33: {  	p0 =	seq.s32 s10, $0x1;
	s10 =	sld [smem:$0x3FBA];
	_ =	sdelay $0x3  }
0x34: {  	[smem:$0x3FBA] =	sst s10  }
0x35: {  	s10 =	sld [smem:$0x3FB9];
	_ =	sdelay $0x3  }
0x36: {  	p1 =	seq.s32 s10, $0x1;
	s10 =	sld [smem:$0x3FBA];
	_ =	sdelay $0x3  }
0x37: {  	[smem:$0x3FBA] =	sst s10  }
0x38: {  	s10 =	sld [smem:$0x3FBB]  }
0x39: {  	_ = 	snop;
	(pc) =	sbr.ind lr, $3  }
0x3a: {  	_ = 	snop  }
0x3b: {  	_ = 	snop  }
0x3c: {  	p2 =	seq.s32 s10, $0x1;
	s10 =	sld [smem:$0x3FBA]  }
0x3d: {  	_ =	shalt  }
0x3e: {  	_ =	shalt  }
0x3f: {  	_ =	shalt  }
0x40: {  	_ =	shalt  }
0x41: {  	_ =	shalt  }
0x42: {  	_ =	shalt  }
0x43: {  	_ =	shalt  }
0x44: {  	_ =	shalt  }
0x45: {  	_ =	shalt  }
0x46: {  	_ =	shalt  }
0x47: {  	_ =	shalt  }
0x48: {  	_ =	shalt  }
0x49: {  	_ =	shalt  }
0x4a: {  	_ =	shalt  }
0x4b: {  	_ =	shalt  }
0x4c: {  	_ =	shalt  }
0x4d: {  	_ =	shalt  }
0x4e: {  	_ =	shalt  }
0x4f: {  	_ =	shalt  }
0x50: {  	_ =	shalt  }
0x51: {  	_ =	shalt  }
0x52: {  	_ =	shalt  }
0x53: {  	_ =	shalt  }
0x54: {  	_ =	shalt  }
0x55: {  	_ =	shalt  }
0x56: {  	_ =	shalt  }
0x57: {  	_ =	shalt  }
0x58: {  	_ =	shalt  }
0x59: {  	_ =	shalt  }
0x5a: {  	_ =	shalt  }
0x5b: {  	_ =	shalt  }
0x5c: {  	_ =	shalt  }
0x5d: {  	_ =	shalt  }
0x5e: {  	_ =	shalt  }
0x5f: {  	_ =	shalt  }
0x60: {  	_ =	shalt  }
0x61: {  	_ =	shalt  }
0x62: {  	_ =	shalt  }
0x63: {  	_ =	shalt  }
0x64: {  	_ =	shalt  }
0x65: {  	_ =	shalt  }
0x66: {  	_ =	shalt  }
0x67: {  	_ =	shalt  }
0x68: {  	_ =	shalt  }
0x69: {  	_ =	shalt  }
0x6a: {  	_ =	shalt  }
0x6b: {  	_ =	shalt  }
0x6c: {  	_ =	shalt  }
0x6d: {  	_ =	shalt  }
0x6e: {  	_ =	shalt  }
0x6f: {  	_ =	shalt  }
0x70: {  	_ =	shalt  }
0x71: {  	_ =	shalt  }
0x72: {  	_ =	shalt  }
0x73: {  	_ =	shalt  }
0x74: {  	_ =	shalt  }
0x75: {  	_ =	shalt  }
0x76: {  	_ =	shalt  }
0x77: {  	_ =	shalt  }
0x78: {  	_ =	shalt  }
0x79: {  	_ =	shalt  }
0x7a: {  	_ =	shalt  }
0x7b: {  	_ =	shalt  }
0x7c: {  	_ =	shalt  }
0x7d: {  	_ =	shalt  }
0x7e: {  	_ =	shalt  }
0x7f: {  	_ =	shalt  }
0x80: {  	_ =	shalt  }
0x81: {  	_ =	shalt  }
0x82: {  	_ =	shalt  }
0x83: {  	_ =	shalt  }
0x84: {  	_ =	shalt  }
0x85: {  	_ =	shalt  }
0x86: {  	_ =	shalt  }
0x87: {  	_ =	shalt  }
.Lfunc_end0:
.L_simem_size_0:
called_computation_lowered:
.L_overlay_start_0:
0x88: {  	s2 =	sld [smem:$0x3FD9]  }
0x89: {  	s3 =	sld [smem:$0x3FFE];
	_ =	sdelay $0x1  }
0x8a: {  	s1 =	srdreg.scid  }
0x8b: {  	s0 =	sand.u32 $0x1, s1  }
0x8c: {  	s16 =	sshll.u32 s0, $0xA;
	s2 =	sadd.s32 s3, s2  }
0x8d: {  	s2 =	sadd.s32 s2, s16  }
0x8e: {  	[smem:$0x3FC6] =	sst s2  }
0x8f: {  	_ = 	snop  }
0x90: {  	(tm) =	ssettm $0x1  }
0x91: {  	s17 =	sld [smem:$0x3FFB];
	_ =	sdelay $0x3  }
0x92: {  	_ =	strace s17  }
0x93: {  	s2 =	sld [smem:$0x3FFC];
	_ =	sdelay $0x3  }
0x94: {  	_ =	strace s2  }
0x95: {  	s2 =	sld [smem:$0x3FFD];
	_ =	sdelay $0x3  }
0x96: {  	_ =	strace s2  }
0x97: {  	_ =	strace $0x8FFFFFFF  }
0x98: {  	s18 =	sld [smem:$0x3FDB];
	_ =	sdelay $0x1  }
0x99: {  	s19 =	simm.s32 $_scs_section_size  }
0x9a: {  	s4 =	simm.s32 $_size__tile_overlayer_lowered;
	s5 =	simm.s32 $_tile_overlayer_lowered  }
0x9b: {  	s22 =	simm.s32 $0x1BFF;
	s21 =	sshll.u32 s5, $0x1;
	s2 =	sadd.s32 s19, s18  }
0x9c: {  	s6 =	simm.s32 $0x0;
	s20 =	sshll.u32 s4, $0x1;
	s4 =	sadd.s32 s21, s2  }
0x9d: {  	[timem:s6], [sflag:s22] =	dma.local [hbm:s4], s20  }
0x9e: {  	_ =	swait.ge [sflag:s22], s20  }
0x9f: {  	s3 =	ssub.s32 $0x0, s20;
	[sflag:s22] =	ssyncset.done $0x0  }
0xa0: {  	[sflag:s22] =	ssyncadd.s32 s3;
	_ =	sdelay $0x1  }
0xa1: {  	s23 =	simm.s32 $0x1B8B  }
0xa2: {  	_ =	swait.ge [sflag:s23], $0x1  }
0xa3: {  	[sflag:s23] =	ssyncset.done $0x0  }
0xa4: {  	s25 =	simm.s32 $0x1B8E;
	s24 =	sld [smem:$0x3FFE];
	[sflag:s23] =	ssyncadd.s32 $0xFFFFFFFF  }
0xa5: {  	s26 =	simm.s32 $execute0_lowered;
	[smem:$0x3FD2] =	sst s25  }
0xa6: {  	s4 =	sshll.u32 s26, $0x1;
	_ =	strace $0x80000046;
	[dreg:$0x1] =	wrdreg $0xFFFFFFFF  }
0xa7: {  	s28 =	simm.s32 $_size_execute0_lowered;
	s2 =	sadd.s32 s2, s4;
	[dreg:$0x0] =	wrdreg $0x0  }
0xa8: {  	s4 =	sshll.u32 s28, $0x1;
	[dreg:$0x2] =	wrdreg s2  }
0xa9: {  	[dreg:$0x3] =	wrdreg s4  }
0xaa: {  	[dreg:$0x4] =	wrdreg $0xC0  }
0xab: {  	_ =	task [dreg:s6], $0x5FFFF  }
0xac: {  	[dreg:$0x1] =	wrdreg $0xFFFFFFFF  }
0xad: {  	[dreg:$0x0] =	wrdreg $0x60  }
0xae: {  	[dreg:$0x2] =	wrdreg s24  }
0xaf: {  	[dreg:$0x3] =	wrdreg $0x9  }
0xb0: {  	_ =	task.clear_ibuf [dreg:s6], $0x4FFFF;
	_ =	strace $0x90000046  }
0xb1: {  	s29 =	simm.s32 $0x9;
	_ =	strace $0x80000048  }
0xb2: {  	_ =	swait.ge [sflag:s29], $0x1  }
0xb3: {  	[sflag:s29] =	ssyncadd.s32 $0xFFFFFFFF  }
0xb4: {  	_ =	strace $0x90000048  }
0xb5: {  	_ =	sfence  }
0xb6: {  	s30 =	sld [smem:$0x0];
	_ =	sdelay $0x2  }
0xb7: {  	s31 =	sshll.u32 s1, $0xD;
	s1 =	sshrl.u32 s1, $0x2  }
0xb8: {  	s3 =	sand.u32 $0x4000, s31;
	s1 =	sadd.s32 s1, s30  }
0xb9: {  	s0 =	sor.u32 s3, s0;
	s1 =	sshll.u32 s1, $0x11  }
0xba: {  	s0 =	sor.u32 s1, s0  }
0xbb: {  	s0 =	sadd.s32 $0x8F2B, s0  }
0xbc: {  	[sflag:s0] =	ssyncadd.remote.s32 $0x1  }
0xbd: {  	_ =	sfence.sel $0xFFFF  }
0xbe: {  	[dreg:$0x0] =	wrdreg $0xFFFFFFFF;
	(pc) =	sbr.abs _section_cstart, $3  }
0xbf: {  	[dreg:$0x1] =	wrdreg $0xFFFFFFFF  }
0xc0: {  	_ =	task.clear_ibuf [dreg:s6], $0x2FFFF;
	_ =	strace $0x9FFFFFFF  }
0xc1: {  	(tm) =	ssettm $0x7FFFFFFF  }
tec
execute0_lowered:
.L_overlay_start_1:
0x0: {  	(tag) =	ssettag $0x1  }
0x1: {  	s0 =	rddreg [dreg:$0x0];
	s2 =	simm.s32 $0x0  }
0x2: {  	s1 =	srdreg.scid;
	s9 =	stileid.u32;
	s13 =	simm.s32 $0x1  }
0x3: {  	s18 =	simm.s32 $0xE000;
	s19 =	simm.s32 $0xF000;
	s20 =	simm.s32 $0x10000  }
0x4: {  	s21 =	simm.s32 $0x80;
	s22 =	simm.s32 $0x400;
	s23 =	simm.s32 $0x14000  }
0x5: {  	s24 =	simm.s32 $0x0;
	[smem:$0x7FF] =	sst s2;
	s3 =	sadd.s32 $0x1600, s0  }
0x6: {  	s1 =	sand.u32 $0x1, s1;
	s6 =	sshll.u32 s9, $0x1;
	s4 =	sadd.s32 $0x1400, s0  }
0x7: {  	s5 =	sadd.s32 $0x1200, s0;
	s9 =	sshll.u32 s9, $0xA;
	_ =	strace $0x80000047  }
0x8: {  	s7 =	sor.u32 s1, s6;
	s6 =	sadd.s32 $0x1000, s0;
	s1 =	ssub.s32 $0x2, s1  }
0x9: {  	s29 =	sand.u32 $0x3000, s9;
	s8 =	sshll.u32 s7, $0xB;
	s30 =	sshrl.u32 s1, $0x1  }
0xa: {  	s31 =	sshll.u32 s7, $0x4;
	s10 =	sadd.s32 s8, s0;
	s0 =	sadd.s32 s29, s0  }
0xb: {  	s1 =	ssub.s32 s1, s30;
	s11 =	sand.u32 $0x70, s31;
	s7 =	sadd.s32 $0x21800, s10  }
0xc: {  	s8 =	sadd.s32 $0x1800, s10;
	s9 =	sadd.s32 $0x11800, s10;
	s0 =	sadd.s32 s11, s0  }
0xd: {  	v0 =	vimm.f32 $3.399999950e+38;
	s10 =	sadd.s32 $0x31800, s10;
	s12 =	smax.u32 s1, $0x1;
	s11 =	sadd.s32 $0x41800, s0  }
.LBB2_1:
0xe: {  	[tilespmem:s2], [sflag:$0x1] =	stream.linear.gather [hbm4b:s7+s2], $0x4000, $0x38;
	[tilespmem:$0x15000] =	vst v63  }
0xf: {  	_ =	swait.ge [sflag:s13], $0x4000  }
0x10: {  	[sflag:s13] =	ssyncset.done $0x0  }
0x11: {  	s0 =	simm.s32 $0x4000;
	[sflag:s13] =	ssyncadd.s32 $0xFFFFC000  }
0x12: {  	[tilespmem:s0], [sflag:$0x1] =	stream.linear.gather [hbm4b:s8+s2], $0x4000, $0x38;
	[tilespmem:$0x15000] =	vst v63  }
0x13: {  	_ =	swait.ge [sflag:s13], $0x4000  }
0x14: {  	[sflag:s13] =	ssyncset.done $0x0  }
0x15: {  	s29 =	simm.s32 $0x8000;
	[sflag:s13] =	ssyncadd.s32 $0xFFFFC000  }
0x16: {  	[tilespmem:s29], [sflag:$0x1] =	stream.linear.gather [hbm4b:s9+s2], $0x4000, $0x38;
	[tilespmem:$0x15000] =	vst v63  }
0x17: {  	_ =	swait.ge [sflag:s13], $0x4000  }
0x18: {  	[sflag:s13] =	ssyncset.done $0x0  }
0x19: {  	s30 =	simm.s32 $0xC000;
	[sflag:s13] =	ssyncadd.s32 $0xFFFFC000  }
0x1a: {  	[tilespmem:s30], [sflag:$0x1] =	stream.linear.gather [hbm4b:s3+s2], $0x1000, $0x38;
	[tilespmem:$0x15000] =	vst v63  }
0x1b: {  	_ =	swait.ge [sflag:s13], $0x1000  }
0x1c: {  	[sflag:s13] =	ssyncset.done $0x0  }
0x1d: {  	s31 =	simm.s32 $0xD000;
	[sflag:s13] =	ssyncadd.s32 $0xFFFFF000  }
0x1e: {  	[tilespmem:s31], [sflag:$0x1] =	stream.linear.gather [hbm4b:s4+s2], $0x1000, $0x38;
	[tilespmem:$0x15000] =	vst v63  }
0x1f: {  	_ =	swait.ge [sflag:s13], $0x1000  }
0x20: {  	[sflag:s13] =	ssyncset.done $0x0  }
0x21: {  	[sflag:s13] =	ssyncadd.s32 $0xFFFFF000  }
0x22: {  	[tilespmem:s18], [sflag:$0x1] =	stream.linear.gather [hbm4b:s5+s2], $0x1000, $0x38;
	[tilespmem:$0x15000] =	vst v63  }
0x23: {  	_ =	swait.ge [sflag:s13], $0x1000  }
0x24: {  	[sflag:s13] =	ssyncset.done $0x0  }
0x25: {  	[sflag:s13] =	ssyncadd.s32 $0xFFFFF000  }
0x26: {  	[tilespmem:s19], [sflag:$0x1] =	stream.linear.gather [hbm4b:s6+s2], $0x1000, $0x38;
	[tilespmem:$0x15000] =	vst v63  }
0x27: {  	_ =	swait.ge [sflag:s13], $0x1000  }
0x28: {  	[sflag:s13] =	ssyncset.done $0x0  }
0x29: {  	s1 =	simm.s32 $0x0;
	s0 =	simm.s32 $0x40;
	[sflag:s13] =	ssyncadd.s32 $0xFFFFF000  }
.LBB2_2:
0x2a: {  	p0 =	sne.s32 s0, $0x3FC0;
	[tilespmem:s1+$0x14000] =	vst v0;
	s1 =	smov.u32 s0;
	s0 =	sadd.s32 $0x40, s0  }
.Ltmp0:
0x2b: {  	(pc) =	sbr.rel @p0 .LBB2_2-.Ltmp0, $2  }
0x2c: {  	_ =	sdelay $0x2  }
0x2d: {  	s1 =	sshra.s32 s1, $0x2  }
0x2e: {  	[tilespmem:s1+$0x14000] =	vst v0;
	s25 =	simm.s32 $0x0  }
.LBB2_4:
0x2f: {  	s26 =	sshll.u32 s25, $0xA  }
0x30: {  	v16 =	vld [tilespmem:s26+$0x0]  }
0x31: {  	v13 =	vld [tilespmem:s26+$0x80]  }
0x32: {  	v21 =	vld [tilespmem:s26+$0x180]  }
0x33: {  	v22 =	vld [tilespmem:s26+$0x200]  }
0x34: {  	v23 =	vld [tilespmem:s26+$0x280]  }
0x35: {  	v26 =	vld [tilespmem:s26+$0x380]  }
0x36: {  	v14 =	vld [tilespmem:s26+$0x4000]  }
0x37: {  	v11 =	vld [tilespmem:s26+$0x4080]  }
0x38: {  	v10 =	vld [tilespmem:s26+$0x4100]  }
0x39: {  	v28 =	vld [tilespmem:s26+$0x4200]  }
0x3a: {  	v27 =	vld [tilespmem:s26+$0x8000]  }
0x3b: {  	v7 =	vld [tilespmem:s26+$0x8080]  }
0x3c: {  	v8 =	vld [tilespmem:s26+$0x8100]  }
0x3d: {  	v30 =	vld [tilespmem:s26+$0x8180]  }
0x3e: {  	v31 =	vld [tilespmem:s26+$0x4300]  }
0x3f: {  	v9 =	vld [tilespmem:s26+$0x8200]  }
0x40: {  	v12 =	vld [tilespmem:s26+$0x8280]  }
0x41: {  	v32 =	vld [tilespmem:s26+$0x4380];
	v1 =	vmul.f32 v16, v16;
	v2 =	vmul.f32 v14, v14  }
0x42: {  	v18 =	vld [tilespmem:s26+$0x8300];
	v3 =	vmul.f32 v13, v13;
	v4 =	vmul.f32 v11, v11  }
0x43: {  	s16 =	simm.s32 $0x0;
	v25 =	vld [tilespmem:s26+$0x8380];
	v5 =	vmul.f32 v7, v7;
	v6 =	vmul.f32 v10, v10  }
0x44: {  	v36 =	vld [tilespmem:s16+$0xD000];
	v15 =	vmul.f32 v8, v8;
	v17 =	vmul.f32 v21, v21  }
0x45: {  	v38 =	vld [tilespmem:s16+$0xE000];
	v33 =	vmul.f32 v28, v28;
	v34 =	vmul.f32 v9, v9  }
0x46: {  	v29 =	vld [tilespmem:s26+$0x4280];
	v35 =	vmul.f32 v23, v23;
	v37 =	vmul.f32 v12, v12  }
0x47: {  	v40 =	vld [tilespmem:s16+$0xC000];
	v39 =	vmul.f32 v31, v31;
	v58 =	vmul.f32 v18, v18  }
0x48: {  	v24 =	vld [tilespmem:s26+$0x300];
	v41 =	vmul.f32 v26, v26;
	v59 =	vmul.f32 v32, v32  }
0x49: {  	v42 =	vmul.f32 v25, v25;
	v60 =	vmul.f32 v36, v31  }
0x4a: {  	v20 =	vld [tilespmem:s26+$0x100];
	v43 =	vmul.f32 v36, v32;
	v44 =	vmul.f32 v38, v30  }
0x4b: {  	v19 =	vld [tilespmem:s26+$0x4180];
	v45 =	vmul.f32 v36, v29;
	v62 =	vmul.f32 v36, v28  }
0x4c: {  	v61 =	vld [tilespmem:s16+$0xF000];
	v46 =	vmul.f32 v40, v26;
	v63 =	vmul.f32 v38, v27  }
0x4d: {  	v54 =	vmul.f32 v40, v24;
	v55 =	vmul.f32 v40, v22  }
0x4e: {  	v1 =	vadd.f32 v2, v1;
	v2 =	vmul.f32 v27, v27;
	v3 =	vadd.f32 v4, v3  }
0x4f: {  	v47 =	vmul.f32 v40, v23;
	v4 =	vmul.f32 v20, v20  }
0x50: {  	v1 =	vadd.f32 v2, v1;
	v2 =	vadd.f32 v5, v3;
	v3 =	vmul.f32 v19, v19  }
0x51: {  	v48 =	vmul.f32 v40, v21;
	v46 =	vadd.f32 v61, v46;
	v4 =	vadd.f32 v6, v4  }
0x52: {  	v47 =	vadd.f32 v61, v47;
	v5 =	vmul.f32 v30, v30;
	v17 =	vadd.f32 v3, v17  }
0x53: {  	v6 =	vmul.f32 v22, v22;
	v3 =	vadd.f32 v15, v4;
	v15 =	vmul.f32 v29, v29  }
0x54: {  	v49 =	vmul.f32 v40, v16;
	v48 =	vadd.f32 v61, v48;
	v4 =	vadd.f32 v5, v17  }
0x55: {  	v56 =	vmul.f32 v40, v20;
	v5 =	vadd.f32 v33, v6;
	v15 =	vadd.f32 v15, v35  }
0x56: {  	v49 =	vadd.f32 v61, v49;
	v17 =	vmul.f32 v24, v24;
	v33 =	vadd.f32 v61, v55  }
0x57: {  	v40 =	vmul.f32 v40, v13;
	v6 =	vadd.f32 v34, v5;
	v5 =	vadd.f32 v37, v15  }
0x58: {  	v51 =	vmul.f32 v36, v14;
	v15 =	vadd.f32 v39, v17;
	v17 =	vadd.f32 v59, v41  }
0x59: {  	v50 =	vmul.f32 v36, v19;
	v41 =	vadd.f32 v61, v54;
	v37 =	vadd.f32 v61, v40  }
0x5a: {  	v57 =	vmul.f32 v36, v11;
	v33 =	vadd.f32 v33, v62;
	v59 =	vadd.f32 v49, v51  }
0x5b: {  	v36 =	vmul.f32 v36, v10;
	v62 =	vadd.f32 v48, v50;
	v15 =	vadd.f32 v58, v15  }
0x5c: {  	v53 =	vmul.f32 v38, v18;
	v17 =	vadd.f32 v42, v17;
	v42 =	vadd.f32 v61, v56  }
0x5d: {  	v48 =	vmul.f32 v38, v9;
	v34 =	vadd.f32 v41, v60;
	v41 =	vadd.f32 v46, v43  }
0x5e: {  	v58 =	vadd.f32 v47, v45;
	v37 =	vadd.f32 v37, v57;
	v60 =	vmul.f32 v38, v7  }
0x5f: {  	v61 =	vmul.f32 v38, v8;
	v35 =	vadd.f32 v59, v63;
	v36 =	vadd.f32 v42, v36  }
0x60: {  	v49 =	vmul.f32 v38, v12;
	v46 =	vadd.f32 v62, v44;
	v37 =	vadd.f32 v37, v60  }
0x61: {  	v40 =	vimm.f32 $3.399999950e+38;
	v54 =	vadd.f32 v33, v48;
	v36 =	vadd.f32 v36, v61  }
0x62: {  	v63 =	vmul.f32 v38, v25;
	v50 =	vadd.f32 v35, v1;
	v51 =	vadd.f32 v37, v2  }
0x63: {  	s28 =	simm.s32 $0x10;
	v33 =	vimm.f32 $3.399999950e+38;
	v42 =	vadd.f32 v58, v49;
	v55 =	vadd.f32 v36, v3  }
0x64: {  	v45 =	vld [tilespmem:s28+$0xD000];
	v57 =	vadd.f32 v46, v4;
	v44 =	vadd.f32 v34, v53;
	v56 =	vmin.f32 v50, v51  }
0x65: {  	v47 =	vld [tilespmem:s28+$0xC000];
	v59 =	vadd.f32 v54, v6;
	v43 =	vadd.f32 v41, v63;
	v58 =	vmin.f32 v56, v55  }
0x66: {  	v35 =	vmin.f32 v33, v35;
	v60 =	vadd.f32 v42, v5;
	v61 =	vld [tilespmem:s16+$0x14000];
	v39 =	vmin.f32 v58, v57  }
0x67: {  	v38 =	vld [tilespmem:s28+$0xE000];
	v41 =	vmin.f32 v33, v54;
	v62 =	vadd.f32 v44, v15;
	v34 =	vmin.f32 v39, v59  }
0x68: {  	v63 =	vadd.f32 v43, v17;
	v37 =	vmin.f32 v33, v37;
	v34 =	vmin.f32 v34, v60  }
0x69: {  	v48 =	vmul.f32 v45, v31;
	v49 =	vmul.f32 v45, v32;
	v39 =	vmin.f32 v34, v62  }
0x6a: {  	s17 =	simm.s32 $0x80;
	s15 =	sor.u32 $0x80, s26;
	v53 =	vmul.f32 v47, v26;
	v36 =	vmin.f32 v33, v36;
	v39 =	vmin.f32 v39, v63  }
0x6b: {  	s1 =	sor.u32 $0x100, s26;
	s14 =	sor.u32 $0x180, s26;
	s30 =	sor.u32 $0x200, s26;
	v52 =	vld [tilespmem:s28+$0xF000];
	v50 =	vmul.f32 v45, v29;
	v51 =	vmul.f32 v45, v28;
	v39 =	vmin.f32 v61, v39  }
0x6c: {  	s29 =	sor.u32 $0x280, s26;
	s0 =	sor.u32 $0x300, s26;
	s31 =	sor.u32 $0x380, s26;
	v34 =	vmin.f32 v33, v46;
	v46 =	vmul.f32 v38, v30;
	[tilespmem:s16+$0x14000] =	vst v39;
	v39 =	vimm.f32 $3.399999950e+38  }
.LBB2_5:
0x6d: {  	p0 =	sne.s32 s17, $0x3FC0;
	v54 =	vmul.f32 v38, v27;
	v55 =	vmul.f32 v47, v24;
	v33 =	vmin.f32 v33, v42  }
0x6e: {  	v42 =	vmul.f32 v47, v22;
	v56 =	vmul.f32 v47, v23;
	v40 =	vmin.f32 v40, v44  }
0x6f: {  	v44 =	vmul.f32 v47, v20;
	v57 =	vmul.f32 v47, v21;
	v39 =	vmin.f32 v39, v43  }
0x70: {  	v43 =	vmul.f32 v47, v16;
	v55 =	vadd.f32 v52, v55;
	v53 =	vadd.f32 v52, v53  }
0x71: {  	v47 =	vmul.f32 v47, v13;
	v42 =	vadd.f32 v52, v42;
	v56 =	vadd.f32 v52, v56  }
0x72: {  	v58 =	vmul.f32 v45, v19;
	v44 =	vadd.f32 v52, v44;
	v57 =	vadd.f32 v52, v57  }
0x73: {  	v59 =	vmul.f32 v45, v14;
	v43 =	vadd.f32 v52, v43;
	v47 =	vadd.f32 v52, v47  }
0x74: {  	v52 =	vmul.f32 v45, v11;
	v48 =	vadd.f32 v55, v48;
	v49 =	vadd.f32 v53, v49  }
0x75: {  	v45 =	vmul.f32 v45, v10;
	v42 =	vadd.f32 v42, v51;
	v50 =	vadd.f32 v56, v50  }
0x76: {  	v43 =	vadd.f32 v43, v59;
	v47 =	vadd.f32 v47, v52;
	v51 =	vmul.f32 v38, v7  }
0x77: {  	v44 =	vadd.f32 v44, v45;
	v45 =	vmul.f32 v38, v8;
	v52 =	vadd.f32 v57, v58  }
0x78: {  	v53 =	vadd.f32 v43, v54;
	v51 =	vadd.f32 v47, v51;
	v43 =	vmul.f32 v38, v25  }
0x79: {  	v54 =	vadd.f32 v44, v45;
	v46 =	vadd.f32 v52, v46;
	v44 =	vmul.f32 v38, v9  }
0x7a: {  	v45 =	vmul.f32 v38, v12;
	v47 =	vadd.f32 v53, v1;
	v52 =	vadd.f32 v51, v2  }
0x7b: {  	s16 =	sshra.s32 s17, $0x2;
	v55 =	vadd.f32 v42, v44;
	v44 =	vmul.f32 v38, v18;
	v56 =	vadd.f32 v54, v3  }
0x7c: {  	v42 =	vadd.f32 v50, v45;
	v50 =	vadd.f32 v46, v4;
	v47 =	vmin.f32 v47, v52;
	v38 =	vld [tilespmem:s16+$0xE000]  }
0x7d: {  	v44 =	vadd.f32 v48, v44;
	v48 =	vadd.f32 v55, v6;
	v47 =	vmin.f32 v47, v56;
	v45 =	vld [tilespmem:s16+$0xD000]  }
0x7e: {  	v43 =	vadd.f32 v49, v43;
	v49 =	vmin.f32 v47, v50;
	v50 =	vadd.f32 v42, v5;
	v56 =	vld [tilespmem:s28+$0x14000]  }
0x7f: {  	v35 =	vmin.f32 v35, v53;
	v48 =	vmin.f32 v49, v48;
	v49 =	vadd.f32 v44, v15;
	v47 =	vld [tilespmem:s16+$0xC000]  }
.Ltmp1:
0x80: {  	v37 =	vmin.f32 v37, v51;
	v48 =	vmin.f32 v48, v50;
	v50 =	vadd.f32 v43, v17;
	(pc) =	sbr.rel @p0 .LBB2_5-.Ltmp1, $4  }
0x81: {  	v36 =	vmin.f32 v36, v54;
	v34 =	vmin.f32 v34, v46;
	v51 =	vmin.f32 v48, v49  }
0x82: {  	v51 =	vmin.f32 v51, v50;
	v48 =	vmul.f32 v45, v31;
	v49 =	vmul.f32 v45, v32  }
0x83: {  	v46 =	vmul.f32 v38, v30;
	v50 =	vmul.f32 v45, v29;
	v52 =	vld [tilespmem:s16+$0xF000];
	v54 =	vmin.f32 v56, v51  }
0x84: {  	s17 =	sadd.s32 $0x40, s17;
	v41 =	vmin.f32 v41, v55;
	v51 =	vmul.f32 v45, v28;
	v53 =	vmul.f32 v47, v26;
	[tilespmem:s28+$0x14000] =	vst v54;
	s28 =	smov.u32 s16  }
0x85: {  	v26 =	vmul.f32 v38, v27;
	v24 =	vmul.f32 v47, v24  }
0x86: {  	v22 =	vmul.f32 v47, v22;
	v23 =	vmul.f32 v47, v23  }
0x87: {  	v20 =	vmul.f32 v47, v20;
	v21 =	vmul.f32 v47, v21  }
0x88: {  	v16 =	vmul.f32 v47, v16;
	v24 =	vadd.f32 v52, v24;
	v32 =	vadd.f32 v52, v53  }
0x89: {  	v13 =	vmul.f32 v47, v13;
	v22 =	vadd.f32 v52, v22;
	v23 =	vadd.f32 v52, v23  }
0x8a: {  	v19 =	vmul.f32 v45, v19;
	v20 =	vadd.f32 v52, v20;
	v21 =	vadd.f32 v52, v21  }
0x8b: {  	v14 =	vmul.f32 v45, v14;
	v16 =	vadd.f32 v52, v16;
	v13 =	vadd.f32 v52, v13  }
0x8c: {  	v11 =	vmul.f32 v45, v11;
	v24 =	vadd.f32 v24, v48;
	v27 =	vadd.f32 v32, v49  }
0x8d: {  	v10 =	vmul.f32 v45, v10;
	v22 =	vadd.f32 v22, v51;
	v23 =	vadd.f32 v23, v50  }
0x8e: {  	v7 =	vmul.f32 v38, v7;
	v14 =	vadd.f32 v16, v14;
	v11 =	vadd.f32 v13, v11  }
0x8f: {  	v8 =	vmul.f32 v38, v8;
	v10 =	vadd.f32 v20, v10;
	v48 =	vadd.f32 v21, v19  }
0x90: {  	v9 =	vmul.f32 v38, v9;
	v14 =	vadd.f32 v14, v26;
	v7 =	vadd.f32 v11, v7  }
0x91: {  	v12 =	vmul.f32 v38, v12;
	v8 =	vadd.f32 v10, v8;
	v50 =	vadd.f32 v48, v46  }
0x92: {  	v18 =	vmul.f32 v38, v18;
	v51 =	vadd.f32 v14, v1;
	v52 =	vadd.f32 v7, v2  }
0x93: {  	v49 =	vmul.f32 v38, v25;
	v9 =	vadd.f32 v22, v9;
	v53 =	vadd.f32 v8, v3  }
0x94: {  	v12 =	vadd.f32 v23, v12;
	v54 =	vadd.f32 v50, v4;
	v13 =	vmin.f32 v51, v52  }
0x95: {  	v18 =	vadd.f32 v24, v18;
	v55 =	vadd.f32 v9, v6;
	v13 =	vmin.f32 v13, v53  }
0x96: {  	v57 =	vld [tilespmem:s28+$0x14000];
	v11 =	vadd.f32 v27, v49;
	v56 =	vadd.f32 v12, v5;
	v13 =	vmin.f32 v13, v54  }
0x97: {  	v58 =	vadd.f32 v18, v15;
	v13 =	vmin.f32 v13, v55  }
0x98: {  	v59 =	vadd.f32 v11, v17;
	v13 =	vmin.f32 v13, v56  }
0x99: {  	v13 =	vmin.f32 v13, v58  }
0x9a: {  	v14 =	vmin.f32 v35, v14;
	v13 =	vmin.f32 v13, v59  }
0x9b: {  	v7 =	vmin.f32 v37, v7;
	v1 =	vadd.f32 v14, v1;
	v13 =	vmin.f32 v57, v13  }
0x9c: {  	v8 =	vmin.f32 v36, v8;
	v2 =	vadd.f32 v7, v2;
	[tilespmem:s28+$0x14000] =	vst v13  }
0x9d: {  	v60 =	vmin.f32 v34, v50;
	[tilespmem:s26+$0x10000] =	vst v1;
	v1 =	vadd.f32 v8, v3  }
0x9e: {  	s25 =	sadd.s32 $0x1, s25;
	v61 =	vmin.f32 v41, v9;
	v3 =	vmin.f32 v33, v42;
	[tilespmem:s15+$0x10000] =	vst v2;
	v2 =	vadd.f32 v60, v4  }
0x9f: {  	v62 =	vmin.f32 v40, v44;
	p0 =	sne.s32 s25, $0x10;
	v3 =	vmin.f32 v3, v12;
	[tilespmem:s1+$0x10000] =	vst v1;
	v1 =	vadd.f32 v61, v6  }
.Ltmp2:
0xa0: {  	v63 =	vmin.f32 v39, v43;
	v4 =	vmin.f32 v62, v18;
	[tilespmem:s14+$0x10000] =	vst v2;
	v2 =	vadd.f32 v3, v5;
	(pc) =	sbr.rel @p0 .LBB2_4-.Ltmp2, $4  }
0xa1: {  	v3 =	vmin.f32 v63, v11;
	[tilespmem:s30+$0x10000] =	vst v1;
	v1 =	vadd.f32 v4, v15  }
0xa2: {  	[tilespmem:s29+$0x10000] =	vst v2;
	v2 =	vadd.f32 v3, v17  }
0xa3: {  	[tilespmem:s0+$0x10000] =	vst v1  }
0xa4: {  	[tilespmem:s31+$0x10000] =	vst v2  }
0xa5: {  	[hbm4b:s10+s2] =	stream.linear.scatter [tilespmem:s20], [sflag:$0x1], $0x4000, $0x38;
	[tilespmem:$0x15000] =	vst v63  }
0xa6: {  	s24 =	sadd.s32 $0x1, s24;
	_ =	swait.ge [sflag:s13], $0x4000  }
0xa7: {  	p0 =	sne.s32 s24, s12;
	[sflag:s13] =	ssyncset.done $0x0  }
.Ltmp3:
0xa8: {  	[sflag:s13] =	ssyncadd.s32 $0xFFFFC000;
	(pc) =	sbr.rel @p0 .LBB2_1-.Ltmp3, $4  }
0xa9: {  	[hbm4b:s11+s21] =	stream.strided.scatter [tilespmem:s23], [sflag:$0x1], $0x1000, s22, s21, $0x38;
	[tilespmem:$0x15000] =	vst v63  }
0xaa: {  	_ =	swait.ge [sflag:s13], $0x1000  }
0xab: {  	[sflag:s13] =	ssyncset.done $0x0  }
0xac: {  	[sflag:s13] =	ssyncadd.s32 $0xFFFFF000  }
0xad: {  	_ =	sfence.sel $0x180000  }
0xae: {  	[bflag:$0x0] =	sbarrier.arrive $0xFFFF  }
0xaf: {  	_ =	strace $0x90000047  }
0xb0: {  	s0 =	stileid.u32;
	[bflag:$0x2] =	sbarrier.arrive $0xFFFF  }
0xb1: {  	p0 =	sne.s32 s0, $0x0;
	s0 =	rddreg [dreg:$0x1]  }
0xb2: {  	s0 =	sadd.s32 @!p0 $0x100000, s0  }
0xb3: {  	[sflag:s0] =	ssyncadd.tile.s32 @!p0 $0x1;
	_ =	shalt  }
.Lfunc_end2:
_tile_overlayer_lowered:
.L_overlay_start_2:
0xb4: {  	(tag) =	ssettag $0x2  }
0xb5: {  	s0 =	rddreg [dreg:$0x0];
	s2 =	stileid.u32  }
0xb6: {  	s1 =	rddreg [dreg:$0x1];
	p0 =	sne.s32 s2, $0x0  }
0xb7: {  	s3 =	rddreg [dreg:$0x2];
	[bflag:$0x3] =	sbarrier.arrive $0xFFFF;
	s2 =	simm.s32 @!p0 $0x1C01  }
0xb8: {  	[timem:s3], [sflag:s2] =	dma.local @!p0 [hbm:s0], s1  }
0xb9: {  	s0 =	simm.s32 @!p0 $0x1  }
0xba: {  	_ =	swait.ge @!p0 [sflag:s0], s1  }
0xbb: {  	s1 =	ssub.s32 @!p0 $0x0, s1;
	[sflag:s0] =	ssyncset.done @!p0 $0x0  }
0xbc: {  	[sflag:s0] =	ssyncadd.s32 @!p0 s1  }
0xbd: {  	[bflag:$0x3] =	sbarrier.arrive $0xFFFF  }
0xbe: {  	_ =	shalt  }

</sc_bundles>
